<compile_context>
chip_gen: v7x
topology: tpu7x:2x2x1
jax: 0.10.2.dev20260603
libtpu: 0.0.44.dev20260713+nightly
codegen_flags: <defaults>
</compile_context>

<pallas_src>
import jax
import jax.numpy as jnp
from jax import lax
from jax.experimental import pallas as pl
from jax.experimental.pallas import tpu as pltpu
from jax.experimental.pallas import tpu_sc as plsc

N_BATCH = 256
L_ROWS = 512
N_W = 128
D_IN = 4096
D_OUT = 4096
R = 16
LANES = 16
N_WORKERS = 32
ROWS_PER_WORKER = (N_BATCH * N_W) // N_WORKERS
UFLAT_PER_WORKER = ROWS_PER_WORKER * R


def _mm1_body(x_ref, a_ref, v_ref):
    v_ref[...] = lax.dot_general(
        x_ref[...], a_ref[...],
        (((1,), (1,)), ((), ())),
        preferred_element_type=jnp.float32,
    )


def _mm2_body(u_ref, b_ref, z_ref, ubf_ref):
    @pl.when(pl.program_id(0) == 0)
    def _():
        ubf_ref[...] = u_ref[...].astype(jnp.bfloat16)

    acc = jnp.dot(ubf_ref[...], b_ref[...], preferred_element_type=jnp.float32)
    z_ref[...] = (acc * 2.0).astype(jnp.bfloat16)


def _sc_combine_body(xids_hbm, wids_hbm, v_hbm, out_hbm,
                     xv_ref, wv_ref, xv2_ref, wv2_ref,
                     rows_ref, rows2_ref, u_ref, id_sem, g_sem, g2_sem):
    w = lax.axis_index("s") * 2 + lax.axis_index("c")
    iota = lax.iota(jnp.int32, LANES)

    l1 = jnp.where(
        w < 16, 8 * w, jnp.where(w < 24, 16 * w - 128, 32 * w - 512)
    )
    n1 = jnp.where(w < 16, 8, 16)
    is_r2 = w >= 24
    l2 = jnp.where(is_r2, 32 * w - 512 + 16, l1)

    c1 = pltpu.async_copy(xids_hbm.at[pl.ds(l1, LANES)], xv_ref, id_sem)
    c2 = pltpu.async_copy(wids_hbm.at[pl.ds(l1, LANES)], wv_ref, id_sem)
    c3 = pltpu.async_copy(xids_hbm.at[pl.ds(l2, LANES)], xv2_ref, id_sem)
    c4 = pltpu.async_copy(wids_hbm.at[pl.ds(l2, LANES)], wv2_ref, id_sem)
    c1.wait()
    c2.wait()
    c3.wait()
    c4.wait()

    g1 = pltpu.async_copy(v_hbm.at[xv_ref[...]], rows_ref, g_sem)

    @pl.when(is_r2)
    def _():
        pltpu.async_copy(v_hbm.at[xv2_ref[...]], rows2_ref, g2_sem)

    def _zero(i, _):
        for u in range(8):
            u_ref[pl.ds((i * 8 + u) * LANES, LANES)] = jnp.zeros(
                (LANES,), jnp.float32
            )
        return 0

    lax.fori_loop(0, UFLAT_PER_WORKER // (LANES * 8), _zero, 0)

    def seg_of(lv):
        return jnp.where(
            lv < 128,
            lv,
            jnp.where(
                lv < 256,
                128 + ((lv - 128) >> 1),
                192 + ((lv - 256) >> 2),
            ),
        )

    def accumulate(l_base, nvalid, wv, rows):
        sv = seg_of(l_base + iota)
        rloc = sv * N_W + wv - w * ROWS_PER_WORKER
        for j in range(LANES):
            jfull = jnp.full((LANES,), j, jnp.int32)
            mask = jfull < nvalid
            lane_j = iota == j
            wj = jnp.max(jnp.where(lane_j, wv, 0))
            rlj = jnp.max(jnp.where(lane_j, rloc, 0))
            offs = jnp.where(mask, rlj * R + iota, 0)
            row = rows[j, pl.ds(wj * R, R)]
            plsc.addupdate_scatter(u_ref, [offs], row, mask=mask)

    g1.wait()
    accumulate(l1, n1, wv_ref[...], rows_ref)

    @pl.when(is_r2)
    def _():
        pltpu.make_async_copy(
            v_hbm.at[xv2_ref[...]], rows2_ref, g2_sem
        ).wait()
        accumulate(l2, jnp.int32(LANES), wv2_ref[...], rows2_ref)

    pltpu.sync_copy(
        u_ref, out_hbm.at[pl.ds(w * UFLAT_PER_WORKER, UFLAT_PER_WORKER)]
    )


def _sc_combine(xids, wids, v2d):
    mesh = plsc.VectorSubcoreMesh(core_axis_name="c", subcore_axis_name="s")
    fn = pl.kernel(
        _sc_combine_body,
        out_type=jax.ShapeDtypeStruct((N_BATCH * N_W * R,), jnp.float32),
        mesh=mesh,
        scratch_types=[
            pltpu.VMEM((LANES,), jnp.int32),
            pltpu.VMEM((LANES,), jnp.int32),
            pltpu.VMEM((LANES,), jnp.int32),
            pltpu.VMEM((LANES,), jnp.int32),
            pltpu.VMEM((LANES, N_W * R), jnp.float32),
            pltpu.VMEM((LANES, N_W * R), jnp.float32),
            pltpu.VMEM((UFLAT_PER_WORKER,), jnp.float32),
            pltpu.SemaphoreType.DMA,
            pltpu.SemaphoreType.DMA,
            pltpu.SemaphoreType.DMA,
        ],
        compiler_params=pltpu.CompilerParams(needs_layout_passes=False),
    )
    return fn(xids, wids, v2d)


@jax.jit
def kernel(x, xids, wids, lora_A, lora_B):
    x2 = x.reshape(N_BATCH, D_IN).astype(jnp.bfloat16)
    a2 = lora_A.astype(jnp.bfloat16).transpose(0, 2, 1).reshape(N_W * R, D_IN)
    b2 = lora_B.reshape(N_W * R, D_OUT).astype(jnp.bfloat16)

    v = pl.pallas_call(
        _mm1_body,
        grid=(2,),
        in_specs=[
            pl.BlockSpec((N_BATCH, D_IN), lambda j: (0, 0)),
            pl.BlockSpec((1024, D_IN), lambda j: (j, 0)),
        ],
        out_specs=pl.BlockSpec((N_BATCH, 1024), lambda j: (0, j)),
        out_shape=jax.ShapeDtypeStruct((N_BATCH, N_W * R), jnp.float32),
    )(x2, a2)

    u_flat = _sc_combine(xids, wids, v)
    u2 = u_flat.reshape(N_BATCH, N_W * R)

    z = pl.pallas_call(
        _mm2_body,
        grid=(2,),
        in_specs=[
            pl.BlockSpec((N_BATCH, N_W * R), lambda j: (0, 0)),
            pl.BlockSpec((N_W * R, 2048), lambda j: (0, j)),
        ],
        out_specs=pl.BlockSpec((N_BATCH, 2048), lambda j: (0, j)),
        out_shape=jax.ShapeDtypeStruct((N_BATCH, D_OUT), jnp.bfloat16),
        scratch_shapes=[pltpu.VMEM((N_BATCH, N_W * R), jnp.bfloat16)],
    )(u2, b2)

    return z.astype(jnp.float16).reshape(N_BATCH, 1, D_OUT)

# --- scband reference (transcript-rebuilt; emitter-appended) ---
"""Pipeline reference for scband-splitted-lora-59459527246488 (READ-ONLY COPY).

The authoritative reference and input builder live on the scoring server;
editing this copy changes nothing except your own understanding.
"""

import jax, jax.numpy as jnp
import numpy as np

BATCH_SIZES = [128, 64, 64]
RS = [16, 32, 64]
NUM_ADAPTERS = [32, 16, 16]
IN_FEATURES = 4096
OUT_FEATURES = 4096
MIN_R = min(RS)


def _build_splits():
    split_lengths, sum_split = [], []
    for i, r in enumerate(RS):
        r_mult = int(r / MIN_R)
        if r_mult == 1:
            sum_split.append(False)
            split_lengths.append(BATCH_SIZES[i])
        else:
            for _ in range(BATCH_SIZES[i]):
                sum_split.append(True)
                split_lengths.append(r_mult)
    split_indices = np.cumsum(split_lengths)[:-1].tolist()
    return split_indices, sum_split, int(np.sum(split_lengths))


SPLIT_INDICES, SUM_SPLIT, LORA_BATCH = _build_splits()
BATCH = sum(BATCH_SIZES)
NUM_SPLITTED = sum(NUM_ADAPTERS[i] * int(RS[i] / MIN_R) for i in range(len(RS)))


def setup_inputs(seed: int = 0) -> dict:
    key = jax.random.key(seed)
    k1, k2, k3, k4, k5 = jax.random.split(key, 5)
    x = jax.random.normal(k1, (BATCH, 1, IN_FEATURES), dtype=jnp.float16)
    xids = jax.random.randint(k2, (LORA_BATCH,), 0, BATCH, dtype=jnp.int32)
    wids = jax.random.randint(k3, (LORA_BATCH,), 0, NUM_SPLITTED, dtype=jnp.int32)
    lora_A = (jax.random.normal(k4, (NUM_SPLITTED, IN_FEATURES, MIN_R), dtype=jnp.float16) * jnp.float16(0.02))
    lora_B = (jax.random.normal(k5, (NUM_SPLITTED, MIN_R, OUT_FEATURES), dtype=jnp.float16) * jnp.float16(0.02))
    return {"x": x, "xids": xids, "wids": wids, "lora_A": lora_A, "lora_B": lora_B}


def reference(x, xids, wids, lora_A, lora_B):
    # gather requests and per-row adapter slices, then two batched matvecs
    xg = jnp.take(x, xids, axis=0)                 # [L, 1, in]
    Ag = jnp.take(lora_A, wids, axis=0)            # [L, in, min_r]
    Bg = jnp.take(lora_B, wids, axis=0)            # [L, min_r, out]
    y = jnp.matmul(jnp.matmul(xg, Ag), Bg) * 2.0   # [L, 1, out]
    y_splits = jnp.split(y, SPLIT_INDICES, axis=0)
    z_lst = []
    for i, y_i in enumerate(y_splits):
        if SUM_SPLIT[i]:
            z_lst.append(jnp.sum(y_i, axis=0, keepdims=True))
        else:
            z_lst.append(y_i)
    z = jnp.concatenate(z_lst, axis=0)             # [BATCH, 1, out]
    return z

if __name__ == "__main__":
    import jax
    _d = setup_inputs()
    print(jax.jit(kernel)(*tuple(_d.values())))

</pallas_src>

<mosaic_0001>
#map = affine_map<(d0, d1) -> (0)>
#map1 = affine_map<(d0, d1) -> (0, 0)>
module attributes {stable_mosaic.version = 14 : i64} {
  func.func @_sc_combine_body(%arg0: i32, %arg1: i32, %arg2: memref<512xi32, #tpu.memory_space<hbm>>, %arg3: memref<512xi32, #tpu.memory_space<hbm>>, %arg4: memref<256x2048xf32, #tpu.memory_space<hbm>>, %arg5: memref<524288xf32, #tpu.memory_space<hbm>>, %arg6: memref<16xi32, #tpu.memory_space<vmem>>, %arg7: memref<16xi32, #tpu.memory_space<vmem>>, %arg8: memref<16xi32, #tpu.memory_space<vmem>>, %arg9: memref<16xi32, #tpu.memory_space<vmem>>, %arg10: memref<16x2048xf32, #tpu.memory_space<vmem>>, %arg11: memref<16x2048xf32, #tpu.memory_space<vmem>>, %arg12: memref<16384xf32, #tpu.memory_space<vmem>>, %arg13: memref<!tpu.dma_semaphore, #tpu.memory_space<semaphore_mem>>, %arg14: memref<!tpu.dma_semaphore, #tpu.memory_space<semaphore_mem>>, %arg15: memref<!tpu.dma_semaphore, #tpu.memory_space<semaphore_mem>>) attributes {dimension_semantics = [#tpu.dimension_semantics<core_parallel>, #tpu.dimension_semantics<subcore_parallel>], iteration_bounds = array<i64: 2, 16>, scalar_prefetch = 0 : i64, scratch_operands = 10 : i64, tpu.core_type = #tpu.core_type<sc_vector_subcore>, window_params = [{transform_indices = #map}, {transform_indices = #map}, {transform_indices = #map1}, {transform_indices = #map}]} {
    %mul3A = arith.constant 2 : i32
    %mul3A_0 = arith.muli %arg1, %mul3A : i32
    %add3A = arith.addi %mul3A_0, %arg0 : i32
    %iota3A = tpu.iota {dimensions = array<i32: 0>} : vector<16xi32>
    %lt3A = arith.constant 16 : i32
    %lt3A_1 = arith.cmpi slt, %add3A, %lt3A : i32
    %mul3A_2 = arith.constant 8 : i32
    %mul3A_3 = arith.muli %mul3A_2, %add3A : i32
    %lt3A_4 = arith.constant 24 : i32
    %lt3A_5 = arith.cmpi slt, %add3A, %lt3A_4 : i32
    %mul3A_6 = arith.constant 16 : i32
    %mul3A_7 = arith.muli %mul3A_6, %add3A : i32
    %sub3A = arith.constant 128 : i32
    %sub3A_8 = arith.subi %mul3A_7, %sub3A : i32
    %mul3A_9 = arith.constant 32 : i32
    %mul3A_10 = arith.muli %mul3A_9, %add3A : i32
    %sub3A_11 = arith.constant 512 : i32
    %sub3A_12 = arith.subi %mul3A_10, %sub3A_11 : i32
    %select_n3A = arith.select %lt3A_5, %sub3A_8, %sub3A_12 : i32
    %select_n3A_13 = arith.select %lt3A_1, %mul3A_3, %select_n3A : i32
    %lt3A_14 = arith.constant 16 : i32
    %lt3A_15 = arith.cmpi slt, %add3A, %lt3A_14 : i32
    %jit3A = arith.constant 8 : i32
    %jit3A_16 = arith.constant 16 : i32
    %select_n3A_17 = arith.select %lt3A_15, %jit3A, %jit3A_16 : i32
    %ge3A = arith.constant 24 : i32
    %ge3A_18 = arith.cmpi sge, %add3A, %ge3A : i32
    %mul3A_19 = arith.constant 32 : i32
    %mul3A_20 = arith.muli %mul3A_19, %add3A : i32
    %sub3A_21 = arith.constant 512 : i32
    %sub3A_22 = arith.subi %mul3A_20, %sub3A_21 : i32
    %add3A_23 = arith.constant 16 : i32
    %add3A_24 = arith.addi %sub3A_22, %add3A_23 : i32
    %select_n3A_25 = arith.select %ge3A_18, %add3A_24, %select_n3A_13 : i32
    %dma_start3A = tpu.memref_slice %arg2[%select_n3A_13] : memref<512xi32, #tpu.memory_space<hbm>> -> memref<16xi32, #tpu.memory_space<hbm>>
    %dma_start3A_26 = tpu.memref_slice %arg2[%select_n3A_13] : memref<512xi32, #tpu.memory_space<hbm>> -> memref<16xi32, #tpu.memory_space<hbm>>
    tpu.enqueue_dma source(%dma_start3A_26 : memref<16xi32, #tpu.memory_space<hbm>>) target(%arg6 : memref<16xi32, #tpu.memory_space<vmem>>) target_semaphore(%arg13 : memref<!tpu.dma_semaphore, #tpu.memory_space<semaphore_mem>>)
    %dma_start3A_27 = tpu.memref_slice %arg3[%select_n3A_13] : memref<512xi32, #tpu.memory_space<hbm>> -> memref<16xi32, #tpu.memory_space<hbm>>
    %dma_start3A_28 = tpu.memref_slice %arg3[%select_n3A_13] : memref<512xi32, #tpu.memory_space<hbm>> -> memref<16xi32, #tpu.memory_space<hbm>>
    tpu.enqueue_dma source(%dma_start3A_28 : memref<16xi32, #tpu.memory_space<hbm>>) target(%arg7 : memref<16xi32, #tpu.memory_space<vmem>>) target_semaphore(%arg13 : memref<!tpu.dma_semaphore, #tpu.memory_space<semaphore_mem>>)
    %dma_start3A_29 = tpu.memref_slice %arg2[%select_n3A_25] : memref<512xi32, #tpu.memory_space<hbm>> -> memref<16xi32, #tpu.memory_space<hbm>>
    %dma_start3A_30 = tpu.memref_slice %arg2[%select_n3A_25] : memref<512xi32, #tpu.memory_space<hbm>> -> memref<16xi32, #tpu.memory_space<hbm>>
    tpu.enqueue_dma source(%dma_start3A_30 : memref<16xi32, #tpu.memory_space<hbm>>) target(%arg8 : memref<16xi32, #tpu.memory_space<vmem>>) target_semaphore(%arg13 : memref<!tpu.dma_semaphore, #tpu.memory_space<semaphore_mem>>)
    %dma_start3A_31 = tpu.memref_slice %arg3[%select_n3A_25] : memref<512xi32, #tpu.memory_space<hbm>> -> memref<16xi32, #tpu.memory_space<hbm>>
    %dma_start3A_32 = tpu.memref_slice %arg3[%select_n3A_25] : memref<512xi32, #tpu.memory_space<hbm>> -> memref<16xi32, #tpu.memory_space<hbm>>
    tpu.enqueue_dma source(%dma_start3A_32 : memref<16xi32, #tpu.memory_space<hbm>>) target(%arg9 : memref<16xi32, #tpu.memory_space<vmem>>) target_semaphore(%arg13 : memref<!tpu.dma_semaphore, #tpu.memory_space<semaphore_mem>>)
    %dma_wait3A = tpu.memref_slice %arg2[%select_n3A_13] : memref<512xi32, #tpu.memory_space<hbm>> -> memref<16xi32, #tpu.memory_space<hbm>>
    %dma_wait3A_33 = tpu.memref_slice %arg2[%select_n3A_13] : memref<512xi32, #tpu.memory_space<hbm>> -> memref<16xi32, #tpu.memory_space<hbm>>
    tpu.wait_dma2 semaphore(%arg13 : memref<!tpu.dma_semaphore, #tpu.memory_space<semaphore_mem>>) src(%dma_wait3A_33 : memref<16xi32, #tpu.memory_space<hbm>>) dst(%arg6 : memref<16xi32, #tpu.memory_space<vmem>>)
    %dma_wait3A_34 = tpu.memref_slice %arg3[%select_n3A_13] : memref<512xi32, #tpu.memory_space<hbm>> -> memref<16xi32, #tpu.memory_space<hbm>>
    %dma_wait3A_35 = tpu.memref_slice %arg3[%select_n3A_13] : memref<512xi32, #tpu.memory_space<hbm>> -> memref<16xi32, #tpu.memory_space<hbm>>
    tpu.wait_dma2 semaphore(%arg13 : memref<!tpu.dma_semaphore, #tpu.memory_space<semaphore_mem>>) src(%dma_wait3A_35 : memref<16xi32, #tpu.memory_space<hbm>>) dst(%arg7 : memref<16xi32, #tpu.memory_space<vmem>>)
    %dma_wait3A_36 = tpu.memref_slice %arg2[%select_n3A_25] : memref<512xi32, #tpu.memory_space<hbm>> -> memref<16xi32, #tpu.memory_space<hbm>>
    %dma_wait3A_37 = tpu.memref_slice %arg2[%select_n3A_25] : memref<512xi32, #tpu.memory_space<hbm>> -> memref<16xi32, #tpu.memory_space<hbm>>
    tpu.wait_dma2 semaphore(%arg13 : memref<!tpu.dma_semaphore, #tpu.memory_space<semaphore_mem>>) src(%dma_wait3A_37 : memref<16xi32, #tpu.memory_space<hbm>>) dst(%arg8 : memref<16xi32, #tpu.memory_space<vmem>>)
    %dma_wait3A_38 = tpu.memref_slice %arg3[%select_n3A_25] : memref<512xi32, #tpu.memory_space<hbm>> -> memref<16xi32, #tpu.memory_space<hbm>>
    %dma_wait3A_39 = tpu.memref_slice %arg3[%select_n3A_25] : memref<512xi32, #tpu.memory_space<hbm>> -> memref<16xi32, #tpu.memory_space<hbm>>
    tpu.wait_dma2 semaphore(%arg13 : memref<!tpu.dma_semaphore, #tpu.memory_space<semaphore_mem>>) src(%dma_wait3A_39 : memref<16xi32, #tpu.memory_space<hbm>>) dst(%arg9 : memref<16xi32, #tpu.memory_space<vmem>>)
    %get3A = arith.constant 0 : index
    %get3A_40 = tpu.vector_load %arg6[%get3A] {strides = array<i32>} : memref<16xi32, #tpu.memory_space<vmem>>, vector<16xi32>,
    %dma_start3A_41 = arith.constant 0 : i32
    %dma_start3A_42 = arith.constant 0 : i32
    %dma_start3A_43 = tpu.memref_slice %arg4[%dma_start3A_41, %dma_start3A_42] : memref<256x2048xf32, #tpu.memory_space<hbm>> -> memref<256x2048xf32, #tpu.memory_space<hbm>>
    tpu.enqueue_indirect_dma source(%dma_start3A_43 : memref<256x2048xf32, #tpu.memory_space<hbm>>) target(%arg10 : memref<16x2048xf32, #tpu.memory_space<vmem>>) offsets(%get3A_40 : vector<16xi32>) semaphore(%arg14 : memref<!tpu.dma_semaphore, #tpu.memory_space<semaphore_mem>>)
    %convert_element_type3A = arith.extui %ge3A_18 : i1 to i32
    %cond3A = arith.constant 0 : i32
    %cond3A_44 = arith.cmpi ne, %convert_element_type3A, %cond3A : i32
    scf.if %cond3A_44 {
      %get3A_765 = arith.constant 0 : index
      %get3A_766 = tpu.vector_load %arg8[%get3A_765] {strides = array<i32>} : memref<16xi32, #tpu.memory_space<vmem>>, vector<16xi32>,
      %dma_start3A_767 = arith.constant 0 : i32
      %dma_start3A_768 = arith.constant 0 : i32
      %dma_start3A_769 = tpu.memref_slice %arg4[%dma_start3A_767, %dma_start3A_768] : memref<256x2048xf32, #tpu.memory_space<hbm>> -> memref<256x2048xf32, #tpu.memory_space<hbm>>
      tpu.enqueue_indirect_dma source(%dma_start3A_769 : memref<256x2048xf32, #tpu.memory_space<hbm>>) target(%arg11 : memref<16x2048xf32, #tpu.memory_space<vmem>>) offsets(%get3A_766 : vector<16xi32>) semaphore(%arg15 : memref<!tpu.dma_semaphore, #tpu.memory_space<semaphore_mem>>)
    } else {
    }
    %scan3A = arith.constant 0 : i32
    %scan3A_45 = arith.constant 0 : i32
    %scan3A_46 = arith.constant 128 : i32
    %scan3A_47 = arith.addi %scan3A_45, %scan3A_46 : i32
    %scan3A_48 = arith.constant 1 : i32
    %scan3A_49 = scf.for %scan3A_765 = %scan3A_45 to %scan3A_47 step %scan3A_48 iter_args(%scan3A_766 = %scan3A) -> (i32)  : i32 {
      %broadcast_in_dim3A_767 = arith.constant 0.000000e+00 : f32
      %broadcast_in_dim3A_768 = vector.broadcast %broadcast_in_dim3A_767 : f32 to vector<16xf32>
      %mul3A_769 = arith.constant 8 : i32
      %mul3A_770 = arith.muli %scan3A_765, %mul3A_769 : i32
      %add3A_771 = arith.constant 0 : i32
      %add3A_772 = arith.addi %mul3A_770, %add3A_771 : i32
      %mul3A_773 = arith.constant 16 : i32
      %mul3A_774 = arith.muli %add3A_772, %mul3A_773 : i32
      %swap3A = arith.index_cast %mul3A_774 : i32 to index
      %swap3A_775 = tpu.vector_load %arg12[%swap3A] {strides = array<i32>} : memref<16384xf32, #tpu.memory_space<vmem>>, vector<16xf32>,
      tpu.vector_store %arg12[%swap3A], %broadcast_in_dim3A_768 {strides = array<i32>} : memref<16384xf32, #tpu.memory_space<vmem>>, vector<16xf32>,
      %broadcast_in_dim3A_776 = arith.constant 0.000000e+00 : f32
      %broadcast_in_dim3A_777 = vector.broadcast %broadcast_in_dim3A_776 : f32 to vector<16xf32>
      %mul3A_778 = arith.constant 8 : i32
      %mul3A_779 = arith.muli %scan3A_765, %mul3A_778 : i32
      %add3A_780 = arith.constant 1 : i32
      %add3A_781 = arith.addi %mul3A_779, %add3A_780 : i32
      %mul3A_782 = arith.constant 16 : i32
      %mul3A_783 = arith.muli %add3A_781, %mul3A_782 : i32
      %swap3A_784 = arith.index_cast %mul3A_783 : i32 to index
      %swap3A_785 = tpu.vector_load %arg12[%swap3A_784] {strides = array<i32>} : memref<16384xf32, #tpu.memory_space<vmem>>, vector<16xf32>,
      tpu.vector_store %arg12[%swap3A_784], %broadcast_in_dim3A_777 {strides = array<i32>} : memref<16384xf32, #tpu.memory_space<vmem>>, vector<16xf32>,
      %broadcast_in_dim3A_786 = arith.constant 0.000000e+00 : f32
      %broadcast_in_dim3A_787 = vector.broadcast %broadcast_in_dim3A_786 : f32 to vector<16xf32>
      %mul3A_788 = arith.constant 8 : i32
      %mul3A_789 = arith.muli %scan3A_765, %mul3A_788 : i32
      %add3A_790 = arith.constant 2 : i32
      %add3A_791 = arith.addi %mul3A_789, %add3A_790 : i32
      %mul3A_792 = arith.constant 16 : i32
      %mul3A_793 = arith.muli %add3A_791, %mul3A_792 : i32
      %swap3A_794 = arith.index_cast %mul3A_793 : i32 to index
      %swap3A_795 = tpu.vector_load %arg12[%swap3A_794] {strides = array<i32>} : memref<16384xf32, #tpu.memory_space<vmem>>, vector<16xf32>,
      tpu.vector_store %arg12[%swap3A_794], %broadcast_in_dim3A_787 {strides = array<i32>} : memref<16384xf32, #tpu.memory_space<vmem>>, vector<16xf32>,
      %broadcast_in_dim3A_796 = arith.constant 0.000000e+00 : f32
      %broadcast_in_dim3A_797 = vector.broadcast %broadcast_in_dim3A_796 : f32 to vector<16xf32>
      %mul3A_798 = arith.constant 8 : i32
      %mul3A_799 = arith.muli %scan3A_765, %mul3A_798 : i32
      %add3A_800 = arith.constant 3 : i32
      %add3A_801 = arith.addi %mul3A_799, %add3A_800 : i32
      %mul3A_802 = arith.constant 16 : i32
      %mul3A_803 = arith.muli %add3A_801, %mul3A_802 : i32
      %swap3A_804 = arith.index_cast %mul3A_803 : i32 to index
      %swap3A_805 = tpu.vector_load %arg12[%swap3A_804] {strides = array<i32>} : memref<16384xf32, #tpu.memory_space<vmem>>, vector<16xf32>,
      tpu.vector_store %arg12[%swap3A_804], %broadcast_in_dim3A_797 {strides = array<i32>} : memref<16384xf32, #tpu.memory_space<vmem>>, vector<16xf32>,
      %broadcast_in_dim3A_806 = arith.constant 0.000000e+00 : f32
      %broadcast_in_dim3A_807 = vector.broadcast %broadcast_in_dim3A_806 : f32 to vector<16xf32>
      %mul3A_808 = arith.constant 8 : i32
      %mul3A_809 = arith.muli %scan3A_765, %mul3A_808 : i32
      %add3A_810 = arith.constant 4 : i32
      %add3A_811 = arith.addi %mul3A_809, %add3A_810 : i32
      %mul3A_812 = arith.constant 16 : i32
      %mul3A_813 = arith.muli %add3A_811, %mul3A_812 : i32
      %swap3A_814 = arith.index_cast %mul3A_813 : i32 to index
      %swap3A_815 = tpu.vector_load %arg12[%swap3A_814] {strides = array<i32>} : memref<16384xf32, #tpu.memory_space<vmem>>, vector<16xf32>,
      tpu.vector_store %arg12[%swap3A_814], %broadcast_in_dim3A_807 {strides = array<i32>} : memref<16384xf32, #tpu.memory_space<vmem>>, vector<16xf32>,
      %broadcast_in_dim3A_816 = arith.constant 0.000000e+00 : f32
      %broadcast_in_dim3A_817 = vector.broadcast %broadcast_in_dim3A_816 : f32 to vector<16xf32>
      %mul3A_818 = arith.constant 8 : i32
      %mul3A_819 = arith.muli %scan3A_765, %mul3A_818 : i32
      %add3A_820 = arith.constant 5 : i32
      %add3A_821 = arith.addi %mul3A_819, %add3A_820 : i32
      %mul3A_822 = arith.constant 16 : i32
      %mul3A_823 = arith.muli %add3A_821, %mul3A_822 : i32
      %swap3A_824 = arith.index_cast %mul3A_823 : i32 to index
      %swap3A_825 = tpu.vector_load %arg12[%swap3A_824] {strides = array<i32>} : memref<16384xf32, #tpu.memory_space<vmem>>, vector<16xf32>,
      tpu.vector_store %arg12[%swap3A_824], %broadcast_in_dim3A_817 {strides = array<i32>} : memref<16384xf32, #tpu.memory_space<vmem>>, vector<16xf32>,
      %broadcast_in_dim3A_826 = arith.constant 0.000000e+00 : f32
      %broadcast_in_dim3A_827 = vector.broadcast %broadcast_in_dim3A_826 : f32 to vector<16xf32>
      %mul3A_828 = arith.constant 8 : i32
      %mul3A_829 = arith.muli %scan3A_765, %mul3A_828 : i32
      %add3A_830 = arith.constant 6 : i32
      %add3A_831 = arith.addi %mul3A_829, %add3A_830 : i32
      %mul3A_832 = arith.constant 16 : i32
      %mul3A_833 = arith.muli %add3A_831, %mul3A_832 : i32
      %swap3A_834 = arith.index_cast %mul3A_833 : i32 to index
      %swap3A_835 = tpu.vector_load %arg12[%swap3A_834] {strides = array<i32>} : memref<16384xf32, #tpu.memory_space<vmem>>, vector<16xf32>,
      tpu.vector_store %arg12[%swap3A_834], %broadcast_in_dim3A_827 {strides = array<i32>} : memref<16384xf32, #tpu.memory_space<vmem>>, vector<16xf32>,
      %broadcast_in_dim3A_836 = arith.constant 0.000000e+00 : f32
      %broadcast_in_dim3A_837 = vector.broadcast %broadcast_in_dim3A_836 : f32 to vector<16xf32>
      %mul3A_838 = arith.constant 8 : i32
      %mul3A_839 = arith.muli %scan3A_765, %mul3A_838 : i32
      %add3A_840 = arith.constant 7 : i32
      %add3A_841 = arith.addi %mul3A_839, %add3A_840 : i32
      %mul3A_842 = arith.constant 16 : i32
      %mul3A_843 = arith.muli %add3A_841, %mul3A_842 : i32
      %swap3A_844 = arith.index_cast %mul3A_843 : i32 to index
      %swap3A_845 = tpu.vector_load %arg12[%swap3A_844] {strides = array<i32>} : memref<16384xf32, #tpu.memory_space<vmem>>, vector<16xf32>,
      tpu.vector_store %arg12[%swap3A_844], %broadcast_in_dim3A_837 {strides = array<i32>} : memref<16384xf32, #tpu.memory_space<vmem>>, vector<16xf32>,
      %scan3A_846 = arith.constant 0 : i32
      scf.yield %scan3A_846 : i32
    }
    %scan3A_50 = arith.constant 128 : i32
    %dma_wait3A_51 = arith.constant 0 : i32
    %dma_wait3A_52 = arith.constant 0 : i32
    %dma_wait3A_53 = tpu.memref_slice %arg4[%dma_wait3A_51, %dma_wait3A_52] : memref<256x2048xf32, #tpu.memory_space<hbm>> -> memref<256x2048xf32, #tpu.memory_space<hbm>>
    tpu.wait_indirect_dma semaphore(%arg14 : memref<!tpu.dma_semaphore, #tpu.memory_space<semaphore_mem>>) src(%dma_wait3A_53 : memref<256x2048xf32, #tpu.memory_space<hbm>>) dst(%arg10 : memref<16x2048xf32, #tpu.memory_space<vmem>>)
    %get3A_54 = arith.constant 0 : index
    %get3A_55 = tpu.vector_load %arg7[%get3A_54] {strides = array<i32>} : memref<16xi32, #tpu.memory_space<vmem>>, vector<16xi32>,
    %add3A_56 = vector.broadcast %select_n3A_13 : i32 to vector<16xi32>
    %add3A_57 = arith.addi %add3A_56, %iota3A : vector<16xi32>
    %lt3A_58 = arith.constant 128 : i32
    %lt3A_59 = vector.broadcast %lt3A_58 : i32 to vector<16xi32>
    %lt3A_60 = arith.cmpi slt, %add3A_57, %lt3A_59 : vector<16xi32>
    %lt3A_61 = arith.constant 256 : i32
    %lt3A_62 = vector.broadcast %lt3A_61 : i32 to vector<16xi32>
    %lt3A_63 = arith.cmpi slt, %add3A_57, %lt3A_62 : vector<16xi32>
    %sub3A_64 = arith.constant 128 : i32
    %sub3A_65 = vector.broadcast %sub3A_64 : i32 to vector<16xi32>
    %sub3A_66 = arith.subi %add3A_57, %sub3A_65 : vector<16xi32>
    %shift_right_arithmetic3A = arith.constant 1 : i32
    %shift_right_arithmetic3A_67 = vector.broadcast %shift_right_arithmetic3A : i32 to vector<16xi32>
    %shift_right_arithmetic3A_68 = arith.shrsi %sub3A_66, %shift_right_arithmetic3A_67 : vector<16xi32>
    %add3A_69 = arith.constant 128 : i32
    %add3A_70 = vector.broadcast %add3A_69 : i32 to vector<16xi32>
    %add3A_71 = arith.addi %add3A_70, %shift_right_arithmetic3A_68 : vector<16xi32>
    %sub3A_72 = arith.constant 256 : i32
    %sub3A_73 = vector.broadcast %sub3A_72 : i32 to vector<16xi32>
    %sub3A_74 = arith.subi %add3A_57, %sub3A_73 : vector<16xi32>
    %shift_right_arithmetic3A_75 = arith.constant 2 : i32
    %shift_right_arithmetic3A_76 = vector.broadcast %shift_right_arithmetic3A_75 : i32 to vector<16xi32>
    %shift_right_arithmetic3A_77 = arith.shrsi %sub3A_74, %shift_right_arithmetic3A_76 : vector<16xi32>
    %add3A_78 = arith.constant 192 : i32
    %add3A_79 = vector.broadcast %add3A_78 : i32 to vector<16xi32>
    %add3A_80 = arith.addi %add3A_79, %shift_right_arithmetic3A_77 : vector<16xi32>
    %select_n3A_81 = arith.select %lt3A_63, %add3A_71, %add3A_80 : vector<16xi1>, vector<16xi32>
    %select_n3A_82 = arith.select %lt3A_60, %add3A_57, %select_n3A_81 : vector<16xi1>, vector<16xi32>
    %mul3A_83 = arith.constant 128 : i32
    %mul3A_84 = vector.broadcast %mul3A_83 : i32 to vector<16xi32>
    %mul3A_85 = arith.muli %select_n3A_82, %mul3A_84 : vector<16xi32>
    %add3A_86 = arith.addi %mul3A_85, %get3A_55 : vector<16xi32>
    %mul3A_87 = arith.constant 1024 : i32
    %mul3A_88 = arith.muli %add3A, %mul3A_87 : i32
    %sub3A_89 = vector.broadcast %mul3A_88 : i32 to vector<16xi32>
    %sub3A_90 = arith.subi %add3A_86, %sub3A_89 : vector<16xi32>
    %broadcast_in_dim3A = arith.constant 0 : i32
    %broadcast_in_dim3A_91 = vector.broadcast %broadcast_in_dim3A : i32 to vector<16xi32>
    %lt3A_92 = vector.broadcast %select_n3A_17 : i32 to vector<16xi32>
    %lt3A_93 = arith.cmpi slt, %broadcast_in_dim3A_91, %lt3A_92 : vector<16xi32>
    %eq3A = arith.constant 0 : i32
    %eq3A_94 = vector.broadcast %eq3A : i32 to vector<16xi32>
    %eq3A_95 = arith.cmpi eq, %iota3A, %eq3A_94 : vector<16xi32>
    %jit3A_96 = arith.constant 0 : i32
    %broadcast_in_dim3A_97 = vector.broadcast %jit3A_96 : i32 to vector<16xi32>
    %select_n3A_98 = arith.select %eq3A_95, %get3A_55, %broadcast_in_dim3A_97 : vector<16xi1>, vector<16xi32>
    %reduce_max3A = arith.constant true
    %reduce_max3A_99 = vector.broadcast %reduce_max3A : i1 to vector<16xi1>
    %reduce_max3A_100 = arith.constant -2147483648 : i32
    %reduce_max3A_101 = vector.broadcast %reduce_max3A_100 : i32 to vector<16xi32>
    %reduce_max3A_102 = arith.xori %select_n3A_98, %reduce_max3A_101 : vector<16xi32>
    %reduce_max3A_103 = tpu.scan <max>, %reduce_max3A_102 masked %reduce_max3A_99 : vector<16xi32>, vector<16xi1> -> vector<16xi32>
    %reduce_max3A_104 = arith.xori %reduce_max3A_103, %reduce_max3A_101 : vector<16xi32>
    %reduce_max3A_105 = vector.extract %reduce_max3A_104[15] : i32 from vector<16xi32>
    %jit3A_106 = arith.constant 0 : i32
    %broadcast_in_dim3A_107 = vector.broadcast %jit3A_106 : i32 to vector<16xi32>
    %select_n3A_108 = arith.select %eq3A_95, %sub3A_90, %broadcast_in_dim3A_107 : vector<16xi1>, vector<16xi32>
    %reduce_max3A_109 = arith.constant true
    %reduce_max3A_110 = vector.broadcast %reduce_max3A_109 : i1 to vector<16xi1>
    %reduce_max3A_111 = arith.constant -2147483648 : i32
    %reduce_max3A_112 = vector.broadcast %reduce_max3A_111 : i32 to vector<16xi32>
    %reduce_max3A_113 = arith.xori %select_n3A_108, %reduce_max3A_112 : vector<16xi32>
    %reduce_max3A_114 = tpu.scan <max>, %reduce_max3A_113 masked %reduce_max3A_110 : vector<16xi32>, vector<16xi1> -> vector<16xi32>
    %reduce_max3A_115 = arith.xori %reduce_max3A_114, %reduce_max3A_112 : vector<16xi32>
    %reduce_max3A_116 = vector.extract %reduce_max3A_115[15] : i32 from vector<16xi32>
    %mul3A_117 = arith.constant 16 : i32
    %mul3A_118 = arith.muli %reduce_max3A_116, %mul3A_117 : i32
    %add3A_119 = vector.broadcast %mul3A_118 : i32 to vector<16xi32>
    %add3A_120 = arith.addi %add3A_119, %iota3A : vector<16xi32>
    %jit3A_121 = arith.constant 0 : i32
    %broadcast_in_dim3A_122 = vector.broadcast %jit3A_121 : i32 to vector<16xi32>
    %select_n3A_123 = arith.select %lt3A_93, %add3A_120, %broadcast_in_dim3A_122 : vector<16xi1>, vector<16xi32>
    %mul3A_124 = arith.constant 16 : i32
    %mul3A_125 = arith.muli %reduce_max3A_105, %mul3A_124 : i32
    %get3A_126 = arith.constant 0 : i32
    %get3A_127 = arith.index_cast %get3A_126 : i32 to index
    %get3A_128 = arith.index_cast %mul3A_125 : i32 to index
    %get3A_129 = tpu.vector_load %arg10[%get3A_127, %get3A_128] {strides = array<i32>} : memref<16x2048xf32, #tpu.memory_space<vmem>>, vector<16xf32>,
    tpu.vector_store_idx %arg12[%select_n3A_123], %get3A_129 masked %lt3A_93 {add = true} : memref<16384xf32, #tpu.memory_space<vmem>>[vector<16xi32>], vector<16xf32>, vector<16xi1>
    %broadcast_in_dim3A_130 = arith.constant 1 : i32
    %broadcast_in_dim3A_131 = vector.broadcast %broadcast_in_dim3A_130 : i32 to vector<16xi32>
    %lt3A_132 = vector.broadcast %select_n3A_17 : i32 to vector<16xi32>
    %lt3A_133 = arith.cmpi slt, %broadcast_in_dim3A_131, %lt3A_132 : vector<16xi32>
    %eq3A_134 = arith.constant 1 : i32
    %eq3A_135 = vector.broadcast %eq3A_134 : i32 to vector<16xi32>
    %eq3A_136 = arith.cmpi eq, %iota3A, %eq3A_135 : vector<16xi32>
    %jit3A_137 = arith.constant 0 : i32
    %broadcast_in_dim3A_138 = vector.broadcast %jit3A_137 : i32 to vector<16xi32>
    %select_n3A_139 = arith.select %eq3A_136, %get3A_55, %broadcast_in_dim3A_138 : vector<16xi1>, vector<16xi32>
    %reduce_max3A_140 = arith.constant true
    %reduce_max3A_141 = vector.broadcast %reduce_max3A_140 : i1 to vector<16xi1>
    %reduce_max3A_142 = arith.constant -2147483648 : i32
    %reduce_max3A_143 = vector.broadcast %reduce_max3A_142 : i32 to vector<16xi32>
    %reduce_max3A_144 = arith.xori %select_n3A_139, %reduce_max3A_143 : vector<16xi32>
    %reduce_max3A_145 = tpu.scan <max>, %reduce_max3A_144 masked %reduce_max3A_141 : vector<16xi32>, vector<16xi1> -> vector<16xi32>
    %reduce_max3A_146 = arith.xori %reduce_max3A_145, %reduce_max3A_143 : vector<16xi32>
    %reduce_max3A_147 = vector.extract %reduce_max3A_146[15] : i32 from vector<16xi32>
    %jit3A_148 = arith.constant 0 : i32
    %broadcast_in_dim3A_149 = vector.broadcast %jit3A_148 : i32 to vector<16xi32>
    %select_n3A_150 = arith.select %eq3A_136, %sub3A_90, %broadcast_in_dim3A_149 : vector<16xi1>, vector<16xi32>
    %reduce_max3A_151 = arith.constant true
    %reduce_max3A_152 = vector.broadcast %reduce_max3A_151 : i1 to vector<16xi1>
    %reduce_max3A_153 = arith.constant -2147483648 : i32
    %reduce_max3A_154 = vector.broadcast %reduce_max3A_153 : i32 to vector<16xi32>
    %reduce_max3A_155 = arith.xori %select_n3A_150, %reduce_max3A_154 : vector<16xi32>
    %reduce_max3A_156 = tpu.scan <max>, %reduce_max3A_155 masked %reduce_max3A_152 : vector<16xi32>, vector<16xi1> -> vector<16xi32>
    %reduce_max3A_157 = arith.xori %reduce_max3A_156, %reduce_max3A_154 : vector<16xi32>
    %reduce_max3A_158 = vector.extract %reduce_max3A_157[15] : i32 from vector<16xi32>
    %mul3A_159 = arith.constant 16 : i32
    %mul3A_160 = arith.muli %reduce_max3A_158, %mul3A_159 : i32
    %add3A_161 = vector.broadcast %mul3A_160 : i32 to vector<16xi32>
    %add3A_162 = arith.addi %add3A_161, %iota3A : vector<16xi32>
    %jit3A_163 = arith.constant 0 : i32
    %broadcast_in_dim3A_164 = vector.broadcast %jit3A_163 : i32 to vector<16xi32>
    %select_n3A_165 = arith.select %lt3A_133, %add3A_162, %broadcast_in_dim3A_164 : vector<16xi1>, vector<16xi32>
    %mul3A_166 = arith.constant 16 : i32
    %mul3A_167 = arith.muli %reduce_max3A_147, %mul3A_166 : i32
    %get3A_168 = arith.constant 1 : i32
    %get3A_169 = arith.index_cast %get3A_168 : i32 to index
    %get3A_170 = arith.index_cast %mul3A_167 : i32 to index
    %get3A_171 = tpu.vector_load %arg10[%get3A_169, %get3A_170] {strides = array<i32>} : memref<16x2048xf32, #tpu.memory_space<vmem>>, vector<16xf32>,
    tpu.vector_store_idx %arg12[%select_n3A_165], %get3A_171 masked %lt3A_133 {add = true} : memref<16384xf32, #tpu.memory_space<vmem>>[vector<16xi32>], vector<16xf32>, vector<16xi1>
    %broadcast_in_dim3A_172 = arith.constant 2 : i32
    %broadcast_in_dim3A_173 = vector.broadcast %broadcast_in_dim3A_172 : i32 to vector<16xi32>
    %lt3A_174 = vector.broadcast %select_n3A_17 : i32 to vector<16xi32>
    %lt3A_175 = arith.cmpi slt, %broadcast_in_dim3A_173, %lt3A_174 : vector<16xi32>
    %eq3A_176 = arith.constant 2 : i32
    %eq3A_177 = vector.broadcast %eq3A_176 : i32 to vector<16xi32>
    %eq3A_178 = arith.cmpi eq, %iota3A, %eq3A_177 : vector<16xi32>
    %jit3A_179 = arith.constant 0 : i32
    %broadcast_in_dim3A_180 = vector.broadcast %jit3A_179 : i32 to vector<16xi32>
    %select_n3A_181 = arith.select %eq3A_178, %get3A_55, %broadcast_in_dim3A_180 : vector<16xi1>, vector<16xi32>
    %reduce_max3A_182 = arith.constant true
    %reduce_max3A_183 = vector.broadcast %reduce_max3A_182 : i1 to vector<16xi1>
    %reduce_max3A_184 = arith.constant -2147483648 : i32
    %reduce_max3A_185 = vector.broadcast %reduce_max3A_184 : i32 to vector<16xi32>
    %reduce_max3A_186 = arith.xori %select_n3A_181, %reduce_max3A_185 : vector<16xi32>
    %reduce_max3A_187 = tpu.scan <max>, %reduce_max3A_186 masked %reduce_max3A_183 : vector<16xi32>, vector<16xi1> -> vector<16xi32>
    %reduce_max3A_188 = arith.xori %reduce_max3A_187, %reduce_max3A_185 : vector<16xi32>
    %reduce_max3A_189 = vector.extract %reduce_max3A_188[15] : i32 from vector<16xi32>
    %jit3A_190 = arith.constant 0 : i32
    %broadcast_in_dim3A_191 = vector.broadcast %jit3A_190 : i32 to vector<16xi32>
    %select_n3A_192 = arith.select %eq3A_178, %sub3A_90, %broadcast_in_dim3A_191 : vector<16xi1>, vector<16xi32>
    %reduce_max3A_193 = arith.constant true
    %reduce_max3A_194 = vector.broadcast %reduce_max3A_193 : i1 to vector<16xi1>
    %reduce_max3A_195 = arith.constant -2147483648 : i32
    %reduce_max3A_196 = vector.broadcast %reduce_max3A_195 : i32 to vector<16xi32>
    %reduce_max3A_197 = arith.xori %select_n3A_192, %reduce_max3A_196 : vector<16xi32>
    %reduce_max3A_198 = tpu.scan <max>, %reduce_max3A_197 masked %reduce_max3A_194 : vector<16xi32>, vector<16xi1> -> vector<16xi32>
    %reduce_max3A_199 = arith.xori %reduce_max3A_198, %reduce_max3A_196 : vector<16xi32>
    %reduce_max3A_200 = vector.extract %reduce_max3A_199[15] : i32 from vector<16xi32>
    %mul3A_201 = arith.constant 16 : i32
    %mul3A_202 = arith.muli %reduce_max3A_200, %mul3A_201 : i32
    %add3A_203 = vector.broadcast %mul3A_202 : i32 to vector<16xi32>
    %add3A_204 = arith.addi %add3A_203, %iota3A : vector<16xi32>
    %jit3A_205 = arith.constant 0 : i32
    %broadcast_in_dim3A_206 = vector.broadcast %jit3A_205 : i32 to vector<16xi32>
    %select_n3A_207 = arith.select %lt3A_175, %add3A_204, %broadcast_in_dim3A_206 : vector<16xi1>, vector<16xi32>
    %mul3A_208 = arith.constant 16 : i32
    %mul3A_209 = arith.muli %reduce_max3A_189, %mul3A_208 : i32
    %get3A_210 = arith.constant 2 : i32
    %get3A_211 = arith.index_cast %get3A_210 : i32 to index
    %get3A_212 = arith.index_cast %mul3A_209 : i32 to index
    %get3A_213 = tpu.vector_load %arg10[%get3A_211, %get3A_212] {strides = array<i32>} : memref<16x2048xf32, #tpu.memory_space<vmem>>, vector<16xf32>,
    tpu.vector_store_idx %arg12[%select_n3A_207], %get3A_213 masked %lt3A_175 {add = true} : memref<16384xf32, #tpu.memory_space<vmem>>[vector<16xi32>], vector<16xf32>, vector<16xi1>
    %broadcast_in_dim3A_214 = arith.constant 3 : i32
    %broadcast_in_dim3A_215 = vector.broadcast %broadcast_in_dim3A_214 : i32 to vector<16xi32>
    %lt3A_216 = vector.broadcast %select_n3A_17 : i32 to vector<16xi32>
    %lt3A_217 = arith.cmpi slt, %broadcast_in_dim3A_215, %lt3A_216 : vector<16xi32>
    %eq3A_218 = arith.constant 3 : i32
    %eq3A_219 = vector.broadcast %eq3A_218 : i32 to vector<16xi32>
    %eq3A_220 = arith.cmpi eq, %iota3A, %eq3A_219 : vector<16xi32>
    %jit3A_221 = arith.constant 0 : i32
    %broadcast_in_dim3A_222 = vector.broadcast %jit3A_221 : i32 to vector<16xi32>
    %select_n3A_223 = arith.select %eq3A_220, %get3A_55, %broadcast_in_dim3A_222 : vector<16xi1>, vector<16xi32>
    %reduce_max3A_224 = arith.constant true
    %reduce_max3A_225 = vector.broadcast %reduce_max3A_224 : i1 to vector<16xi1>
    %reduce_max3A_226 = arith.constant -2147483648 : i32
    %reduce_max3A_227 = vector.broadcast %reduce_max3A_226 : i32 to vector<16xi32>
    %reduce_max3A_228 = arith.xori %select_n3A_223, %reduce_max3A_227 : vector<16xi32>
    %reduce_max3A_229 = tpu.scan <max>, %reduce_max3A_228 masked %reduce_max3A_225 : vector<16xi32>, vector<16xi1> -> vector<16xi32>
    %reduce_max3A_230 = arith.xori %reduce_max3A_229, %reduce_max3A_227 : vector<16xi32>
    %reduce_max3A_231 = vector.extract %reduce_max3A_230[15] : i32 from vector<16xi32>
    %jit3A_232 = arith.constant 0 : i32
    %broadcast_in_dim3A_233 = vector.broadcast %jit3A_232 : i32 to vector<16xi32>
    %select_n3A_234 = arith.select %eq3A_220, %sub3A_90, %broadcast_in_dim3A_233 : vector<16xi1>, vector<16xi32>
    %reduce_max3A_235 = arith.constant true
    %reduce_max3A_236 = vector.broadcast %reduce_max3A_235 : i1 to vector<16xi1>
    %reduce_max3A_237 = arith.constant -2147483648 : i32
    %reduce_max3A_238 = vector.broadcast %reduce_max3A_237 : i32 to vector<16xi32>
    %reduce_max3A_239 = arith.xori %select_n3A_234, %reduce_max3A_238 : vector<16xi32>
    %reduce_max3A_240 = tpu.scan <max>, %reduce_max3A_239 masked %reduce_max3A_236 : vector<16xi32>, vector<16xi1> -> vector<16xi32>
    %reduce_max3A_241 = arith.xori %reduce_max3A_240, %reduce_max3A_238 : vector<16xi32>
    %reduce_max3A_242 = vector.extract %reduce_max3A_241[15] : i32 from vector<16xi32>
    %mul3A_243 = arith.constant 16 : i32
    %mul3A_244 = arith.muli %reduce_max3A_242, %mul3A_243 : i32
    %add3A_245 = vector.broadcast %mul3A_244 : i32 to vector<16xi32>
    %add3A_246 = arith.addi %add3A_245, %iota3A : vector<16xi32>
    %jit3A_247 = arith.constant 0 : i32
    %broadcast_in_dim3A_248 = vector.broadcast %jit3A_247 : i32 to vector<16xi32>
    %select_n3A_249 = arith.select %lt3A_217, %add3A_246, %broadcast_in_dim3A_248 : vector<16xi1>, vector<16xi32>
    %mul3A_250 = arith.constant 16 : i32
    %mul3A_251 = arith.muli %reduce_max3A_231, %mul3A_250 : i32
    %get3A_252 = arith.constant 3 : i32
    %get3A_253 = arith.index_cast %get3A_252 : i32 to index
    %get3A_254 = arith.index_cast %mul3A_251 : i32 to index
    %get3A_255 = tpu.vector_load %arg10[%get3A_253, %get3A_254] {strides = array<i32>} : memref<16x2048xf32, #tpu.memory_space<vmem>>, vector<16xf32>,
    tpu.vector_store_idx %arg12[%select_n3A_249], %get3A_255 masked %lt3A_217 {add = true} : memref<16384xf32, #tpu.memory_space<vmem>>[vector<16xi32>], vector<16xf32>, vector<16xi1>
    %broadcast_in_dim3A_256 = arith.constant 4 : i32
    %broadcast_in_dim3A_257 = vector.broadcast %broadcast_in_dim3A_256 : i32 to vector<16xi32>
    %lt3A_258 = vector.broadcast %select_n3A_17 : i32 to vector<16xi32>
    %lt3A_259 = arith.cmpi slt, %broadcast_in_dim3A_257, %lt3A_258 : vector<16xi32>
    %eq3A_260 = arith.constant 4 : i32
    %eq3A_261 = vector.broadcast %eq3A_260 : i32 to vector<16xi32>
    %eq3A_262 = arith.cmpi eq, %iota3A, %eq3A_261 : vector<16xi32>
    %jit3A_263 = arith.constant 0 : i32
    %broadcast_in_dim3A_264 = vector.broadcast %jit3A_263 : i32 to vector<16xi32>
    %select_n3A_265 = arith.select %eq3A_262, %get3A_55, %broadcast_in_dim3A_264 : vector<16xi1>, vector<16xi32>
    %reduce_max3A_266 = arith.constant true
    %reduce_max3A_267 = vector.broadcast %reduce_max3A_266 : i1 to vector<16xi1>
    %reduce_max3A_268 = arith.constant -2147483648 : i32
    %reduce_max3A_269 = vector.broadcast %reduce_max3A_268 : i32 to vector<16xi32>
    %reduce_max3A_270 = arith.xori %select_n3A_265, %reduce_max3A_269 : vector<16xi32>
    %reduce_max3A_271 = tpu.scan <max>, %reduce_max3A_270 masked %reduce_max3A_267 : vector<16xi32>, vector<16xi1> -> vector<16xi32>
    %reduce_max3A_272 = arith.xori %reduce_max3A_271, %reduce_max3A_269 : vector<16xi32>
    %reduce_max3A_273 = vector.extract %reduce_max3A_272[15] : i32 from vector<16xi32>
    %jit3A_274 = arith.constant 0 : i32
    %broadcast_in_dim3A_275 = vector.broadcast %jit3A_274 : i32 to vector<16xi32>
    %select_n3A_276 = arith.select %eq3A_262, %sub3A_90, %broadcast_in_dim3A_275 : vector<16xi1>, vector<16xi32>
    %reduce_max3A_277 = arith.constant true
    %reduce_max3A_278 = vector.broadcast %reduce_max3A_277 : i1 to vector<16xi1>
    %reduce_max3A_279 = arith.constant -2147483648 : i32
    %reduce_max3A_280 = vector.broadcast %reduce_max3A_279 : i32 to vector<16xi32>
    %reduce_max3A_281 = arith.xori %select_n3A_276, %reduce_max3A_280 : vector<16xi32>
    %reduce_max3A_282 = tpu.scan <max>, %reduce_max3A_281 masked %reduce_max3A_278 : vector<16xi32>, vector<16xi1> -> vector<16xi32>
    %reduce_max3A_283 = arith.xori %reduce_max3A_282, %reduce_max3A_280 : vector<16xi32>
    %reduce_max3A_284 = vector.extract %reduce_max3A_283[15] : i32 from vector<16xi32>
    %mul3A_285 = arith.constant 16 : i32
    %mul3A_286 = arith.muli %reduce_max3A_284, %mul3A_285 : i32
    %add3A_287 = vector.broadcast %mul3A_286 : i32 to vector<16xi32>
    %add3A_288 = arith.addi %add3A_287, %iota3A : vector<16xi32>
    %jit3A_289 = arith.constant 0 : i32
    %broadcast_in_dim3A_290 = vector.broadcast %jit3A_289 : i32 to vector<16xi32>
    %select_n3A_291 = arith.select %lt3A_259, %add3A_288, %broadcast_in_dim3A_290 : vector<16xi1>, vector<16xi32>
    %mul3A_292 = arith.constant 16 : i32
    %mul3A_293 = arith.muli %reduce_max3A_273, %mul3A_292 : i32
    %get3A_294 = arith.constant 4 : i32
    %get3A_295 = arith.index_cast %get3A_294 : i32 to index
    %get3A_296 = arith.index_cast %mul3A_293 : i32 to index
    %get3A_297 = tpu.vector_load %arg10[%get3A_295, %get3A_296] {strides = array<i32>} : memref<16x2048xf32, #tpu.memory_space<vmem>>, vector<16xf32>,
    tpu.vector_store_idx %arg12[%select_n3A_291], %get3A_297 masked %lt3A_259 {add = true} : memref<16384xf32, #tpu.memory_space<vmem>>[vector<16xi32>], vector<16xf32>, vector<16xi1>
    %broadcast_in_dim3A_298 = arith.constant 5 : i32
    %broadcast_in_dim3A_299 = vector.broadcast %broadcast_in_dim3A_298 : i32 to vector<16xi32>
    %lt3A_300 = vector.broadcast %select_n3A_17 : i32 to vector<16xi32>
    %lt3A_301 = arith.cmpi slt, %broadcast_in_dim3A_299, %lt3A_300 : vector<16xi32>
    %eq3A_302 = arith.constant 5 : i32
    %eq3A_303 = vector.broadcast %eq3A_302 : i32 to vector<16xi32>
    %eq3A_304 = arith.cmpi eq, %iota3A, %eq3A_303 : vector<16xi32>
    %jit3A_305 = arith.constant 0 : i32
    %broadcast_in_dim3A_306 = vector.broadcast %jit3A_305 : i32 to vector<16xi32>
    %select_n3A_307 = arith.select %eq3A_304, %get3A_55, %broadcast_in_dim3A_306 : vector<16xi1>, vector<16xi32>
    %reduce_max3A_308 = arith.constant true
    %reduce_max3A_309 = vector.broadcast %reduce_max3A_308 : i1 to vector<16xi1>
    %reduce_max3A_310 = arith.constant -2147483648 : i32
    %reduce_max3A_311 = vector.broadcast %reduce_max3A_310 : i32 to vector<16xi32>
    %reduce_max3A_312 = arith.xori %select_n3A_307, %reduce_max3A_311 : vector<16xi32>
    %reduce_max3A_313 = tpu.scan <max>, %reduce_max3A_312 masked %reduce_max3A_309 : vector<16xi32>, vector<16xi1> -> vector<16xi32>
    %reduce_max3A_314 = arith.xori %reduce_max3A_313, %reduce_max3A_311 : vector<16xi32>
    %reduce_max3A_315 = vector.extract %reduce_max3A_314[15] : i32 from vector<16xi32>
    %jit3A_316 = arith.constant 0 : i32
    %broadcast_in_dim3A_317 = vector.broadcast %jit3A_316 : i32 to vector<16xi32>
    %select_n3A_318 = arith.select %eq3A_304, %sub3A_90, %broadcast_in_dim3A_317 : vector<16xi1>, vector<16xi32>
    %reduce_max3A_319 = arith.constant true
    %reduce_max3A_320 = vector.broadcast %reduce_max3A_319 : i1 to vector<16xi1>
    %reduce_max3A_321 = arith.constant -2147483648 : i32
    %reduce_max3A_322 = vector.broadcast %reduce_max3A_321 : i32 to vector<16xi32>
    %reduce_max3A_323 = arith.xori %select_n3A_318, %reduce_max3A_322 : vector<16xi32>
    %reduce_max3A_324 = tpu.scan <max>, %reduce_max3A_323 masked %reduce_max3A_320 : vector<16xi32>, vector<16xi1> -> vector<16xi32>
    %reduce_max3A_325 = arith.xori %reduce_max3A_324, %reduce_max3A_322 : vector<16xi32>
    %reduce_max3A_326 = vector.extract %reduce_max3A_325[15] : i32 from vector<16xi32>
    %mul3A_327 = arith.constant 16 : i32
    %mul3A_328 = arith.muli %reduce_max3A_326, %mul3A_327 : i32
    %add3A_329 = vector.broadcast %mul3A_328 : i32 to vector<16xi32>
    %add3A_330 = arith.addi %add3A_329, %iota3A : vector<16xi32>
    %jit3A_331 = arith.constant 0 : i32
    %broadcast_in_dim3A_332 = vector.broadcast %jit3A_331 : i32 to vector<16xi32>
    %select_n3A_333 = arith.select %lt3A_301, %add3A_330, %broadcast_in_dim3A_332 : vector<16xi1>, vector<16xi32>
    %mul3A_334 = arith.constant 16 : i32
    %mul3A_335 = arith.muli %reduce_max3A_315, %mul3A_334 : i32
    %get3A_336 = arith.constant 5 : i32
    %get3A_337 = arith.index_cast %get3A_336 : i32 to index
    %get3A_338 = arith.index_cast %mul3A_335 : i32 to index
    %get3A_339 = tpu.vector_load %arg10[%get3A_337, %get3A_338] {strides = array<i32>} : memref<16x2048xf32, #tpu.memory_space<vmem>>, vector<16xf32>,
    tpu.vector_store_idx %arg12[%select_n3A_333], %get3A_339 masked %lt3A_301 {add = true} : memref<16384xf32, #tpu.memory_space<vmem>>[vector<16xi32>], vector<16xf32>, vector<16xi1>
    %broadcast_in_dim3A_340 = arith.constant 6 : i32
    %broadcast_in_dim3A_341 = vector.broadcast %broadcast_in_dim3A_340 : i32 to vector<16xi32>
    %lt3A_342 = vector.broadcast %select_n3A_17 : i32 to vector<16xi32>
    %lt3A_343 = arith.cmpi slt, %broadcast_in_dim3A_341, %lt3A_342 : vector<16xi32>
    %eq3A_344 = arith.constant 6 : i32
    %eq3A_345 = vector.broadcast %eq3A_344 : i32 to vector<16xi32>
    %eq3A_346 = arith.cmpi eq, %iota3A, %eq3A_345 : vector<16xi32>
    %jit3A_347 = arith.constant 0 : i32
    %broadcast_in_dim3A_348 = vector.broadcast %jit3A_347 : i32 to vector<16xi32>
    %select_n3A_349 = arith.select %eq3A_346, %get3A_55, %broadcast_in_dim3A_348 : vector<16xi1>, vector<16xi32>
    %reduce_max3A_350 = arith.constant true
    %reduce_max3A_351 = vector.broadcast %reduce_max3A_350 : i1 to vector<16xi1>
    %reduce_max3A_352 = arith.constant -2147483648 : i32
    %reduce_max3A_353 = vector.broadcast %reduce_max3A_352 : i32 to vector<16xi32>
    %reduce_max3A_354 = arith.xori %select_n3A_349, %reduce_max3A_353 : vector<16xi32>
    %reduce_max3A_355 = tpu.scan <max>, %reduce_max3A_354 masked %reduce_max3A_351 : vector<16xi32>, vector<16xi1> -> vector<16xi32>
    %reduce_max3A_356 = arith.xori %reduce_max3A_355, %reduce_max3A_353 : vector<16xi32>
    %reduce_max3A_357 = vector.extract %reduce_max3A_356[15] : i32 from vector<16xi32>
    %jit3A_358 = arith.constant 0 : i32
    %broadcast_in_dim3A_359 = vector.broadcast %jit3A_358 : i32 to vector<16xi32>
    %select_n3A_360 = arith.select %eq3A_346, %sub3A_90, %broadcast_in_dim3A_359 : vector<16xi1>, vector<16xi32>
    %reduce_max3A_361 = arith.constant true
    %reduce_max3A_362 = vector.broadcast %reduce_max3A_361 : i1 to vector<16xi1>
    %reduce_max3A_363 = arith.constant -2147483648 : i32
    %reduce_max3A_364 = vector.broadcast %reduce_max3A_363 : i32 to vector<16xi32>
    %reduce_max3A_365 = arith.xori %select_n3A_360, %reduce_max3A_364 : vector<16xi32>
    %reduce_max3A_366 = tpu.scan <max>, %reduce_max3A_365 masked %reduce_max3A_362 : vector<16xi32>, vector<16xi1> -> vector<16xi32>
    %reduce_max3A_367 = arith.xori %reduce_max3A_366, %reduce_max3A_364 : vector<16xi32>
    %reduce_max3A_368 = vector.extract %reduce_max3A_367[15] : i32 from vector<16xi32>
    %mul3A_369 = arith.constant 16 : i32
    %mul3A_370 = arith.muli %reduce_max3A_368, %mul3A_369 : i32
    %add3A_371 = vector.broadcast %mul3A_370 : i32 to vector<16xi32>
    %add3A_372 = arith.addi %add3A_371, %iota3A : vector<16xi32>
    %jit3A_373 = arith.constant 0 : i32
    %broadcast_in_dim3A_374 = vector.broadcast %jit3A_373 : i32 to vector<16xi32>
    %select_n3A_375 = arith.select %lt3A_343, %add3A_372, %broadcast_in_dim3A_374 : vector<16xi1>, vector<16xi32>
    %mul3A_376 = arith.constant 16 : i32
    %mul3A_377 = arith.muli %reduce_max3A_357, %mul3A_376 : i32
    %get3A_378 = arith.constant 6 : i32
    %get3A_379 = arith.index_cast %get3A_378 : i32 to index
    %get3A_380 = arith.index_cast %mul3A_377 : i32 to index
    %get3A_381 = tpu.vector_load %arg10[%get3A_379, %get3A_380] {strides = array<i32>} : memref<16x2048xf32, #tpu.memory_space<vmem>>, vector<16xf32>,
    tpu.vector_store_idx %arg12[%select_n3A_375], %get3A_381 masked %lt3A_343 {add = true} : memref<16384xf32, #tpu.memory_space<vmem>>[vector<16xi32>], vector<16xf32>, vector<16xi1>
    %broadcast_in_dim3A_382 = arith.constant 7 : i32
    %broadcast_in_dim3A_383 = vector.broadcast %broadcast_in_dim3A_382 : i32 to vector<16xi32>
    %lt3A_384 = vector.broadcast %select_n3A_17 : i32 to vector<16xi32>
    %lt3A_385 = arith.cmpi slt, %broadcast_in_dim3A_383, %lt3A_384 : vector<16xi32>
    %eq3A_386 = arith.constant 7 : i32
    %eq3A_387 = vector.broadcast %eq3A_386 : i32 to vector<16xi32>
    %eq3A_388 = arith.cmpi eq, %iota3A, %eq3A_387 : vector<16xi32>
    %jit3A_389 = arith.constant 0 : i32
    %broadcast_in_dim3A_390 = vector.broadcast %jit3A_389 : i32 to vector<16xi32>
    %select_n3A_391 = arith.select %eq3A_388, %get3A_55, %broadcast_in_dim3A_390 : vector<16xi1>, vector<16xi32>
    %reduce_max3A_392 = arith.constant true
    %reduce_max3A_393 = vector.broadcast %reduce_max3A_392 : i1 to vector<16xi1>
    %reduce_max3A_394 = arith.constant -2147483648 : i32
    %reduce_max3A_395 = vector.broadcast %reduce_max3A_394 : i32 to vector<16xi32>
    %reduce_max3A_396 = arith.xori %select_n3A_391, %reduce_max3A_395 : vector<16xi32>
    %reduce_max3A_397 = tpu.scan <max>, %reduce_max3A_396 masked %reduce_max3A_393 : vector<16xi32>, vector<16xi1> -> vector<16xi32>
    %reduce_max3A_398 = arith.xori %reduce_max3A_397, %reduce_max3A_395 : vector<16xi32>
    %reduce_max3A_399 = vector.extract %reduce_max3A_398[15] : i32 from vector<16xi32>
    %jit3A_400 = arith.constant 0 : i32
    %broadcast_in_dim3A_401 = vector.broadcast %jit3A_400 : i32 to vector<16xi32>
    %select_n3A_402 = arith.select %eq3A_388, %sub3A_90, %broadcast_in_dim3A_401 : vector<16xi1>, vector<16xi32>
    %reduce_max3A_403 = arith.constant true
    %reduce_max3A_404 = vector.broadcast %reduce_max3A_403 : i1 to vector<16xi1>
    %reduce_max3A_405 = arith.constant -2147483648 : i32
    %reduce_max3A_406 = vector.broadcast %reduce_max3A_405 : i32 to vector<16xi32>
    %reduce_max3A_407 = arith.xori %select_n3A_402, %reduce_max3A_406 : vector<16xi32>
    %reduce_max3A_408 = tpu.scan <max>, %reduce_max3A_407 masked %reduce_max3A_404 : vector<16xi32>, vector<16xi1> -> vector<16xi32>
    %reduce_max3A_409 = arith.xori %reduce_max3A_408, %reduce_max3A_406 : vector<16xi32>
    %reduce_max3A_410 = vector.extract %reduce_max3A_409[15] : i32 from vector<16xi32>
    %mul3A_411 = arith.constant 16 : i32
    %mul3A_412 = arith.muli %reduce_max3A_410, %mul3A_411 : i32
    %add3A_413 = vector.broadcast %mul3A_412 : i32 to vector<16xi32>
    %add3A_414 = arith.addi %add3A_413, %iota3A : vector<16xi32>
    %jit3A_415 = arith.constant 0 : i32
    %broadcast_in_dim3A_416 = vector.broadcast %jit3A_415 : i32 to vector<16xi32>
    %select_n3A_417 = arith.select %lt3A_385, %add3A_414, %broadcast_in_dim3A_416 : vector<16xi1>, vector<16xi32>
    %mul3A_418 = arith.constant 16 : i32
    %mul3A_419 = arith.muli %reduce_max3A_399, %mul3A_418 : i32
    %get3A_420 = arith.constant 7 : i32
    %get3A_421 = arith.index_cast %get3A_420 : i32 to index
    %get3A_422 = arith.index_cast %mul3A_419 : i32 to index
    %get3A_423 = tpu.vector_load %arg10[%get3A_421, %get3A_422] {strides = array<i32>} : memref<16x2048xf32, #tpu.memory_space<vmem>>, vector<16xf32>,
    tpu.vector_store_idx %arg12[%select_n3A_417], %get3A_423 masked %lt3A_385 {add = true} : memref<16384xf32, #tpu.memory_space<vmem>>[vector<16xi32>], vector<16xf32>, vector<16xi1>
    %broadcast_in_dim3A_424 = arith.constant 8 : i32
    %broadcast_in_dim3A_425 = vector.broadcast %broadcast_in_dim3A_424 : i32 to vector<16xi32>
    %lt3A_426 = vector.broadcast %select_n3A_17 : i32 to vector<16xi32>
    %lt3A_427 = arith.cmpi slt, %broadcast_in_dim3A_425, %lt3A_426 : vector<16xi32>
    %eq3A_428 = arith.constant 8 : i32
    %eq3A_429 = vector.broadcast %eq3A_428 : i32 to vector<16xi32>
    %eq3A_430 = arith.cmpi eq, %iota3A, %eq3A_429 : vector<16xi32>
    %jit3A_431 = arith.constant 0 : i32
    %broadcast_in_dim3A_432 = vector.broadcast %jit3A_431 : i32 to vector<16xi32>
    %select_n3A_433 = arith.select %eq3A_430, %get3A_55, %broadcast_in_dim3A_432 : vector<16xi1>, vector<16xi32>
    %reduce_max3A_434 = arith.constant true
    %reduce_max3A_435 = vector.broadcast %reduce_max3A_434 : i1 to vector<16xi1>
    %reduce_max3A_436 = arith.constant -2147483648 : i32
    %reduce_max3A_437 = vector.broadcast %reduce_max3A_436 : i32 to vector<16xi32>
    %reduce_max3A_438 = arith.xori %select_n3A_433, %reduce_max3A_437 : vector<16xi32>
    %reduce_max3A_439 = tpu.scan <max>, %reduce_max3A_438 masked %reduce_max3A_435 : vector<16xi32>, vector<16xi1> -> vector<16xi32>
    %reduce_max3A_440 = arith.xori %reduce_max3A_439, %reduce_max3A_437 : vector<16xi32>
    %reduce_max3A_441 = vector.extract %reduce_max3A_440[15] : i32 from vector<16xi32>
    %jit3A_442 = arith.constant 0 : i32
    %broadcast_in_dim3A_443 = vector.broadcast %jit3A_442 : i32 to vector<16xi32>
    %select_n3A_444 = arith.select %eq3A_430, %sub3A_90, %broadcast_in_dim3A_443 : vector<16xi1>, vector<16xi32>
    %reduce_max3A_445 = arith.constant true
    %reduce_max3A_446 = vector.broadcast %reduce_max3A_445 : i1 to vector<16xi1>
    %reduce_max3A_447 = arith.constant -2147483648 : i32
    %reduce_max3A_448 = vector.broadcast %reduce_max3A_447 : i32 to vector<16xi32>
    %reduce_max3A_449 = arith.xori %select_n3A_444, %reduce_max3A_448 : vector<16xi32>
    %reduce_max3A_450 = tpu.scan <max>, %reduce_max3A_449 masked %reduce_max3A_446 : vector<16xi32>, vector<16xi1> -> vector<16xi32>
    %reduce_max3A_451 = arith.xori %reduce_max3A_450, %reduce_max3A_448 : vector<16xi32>
    %reduce_max3A_452 = vector.extract %reduce_max3A_451[15] : i32 from vector<16xi32>
    %mul3A_453 = arith.constant 16 : i32
    %mul3A_454 = arith.muli %reduce_max3A_452, %mul3A_453 : i32
    %add3A_455 = vector.broadcast %mul3A_454 : i32 to vector<16xi32>
    %add3A_456 = arith.addi %add3A_455, %iota3A : vector<16xi32>
    %jit3A_457 = arith.constant 0 : i32
    %broadcast_in_dim3A_458 = vector.broadcast %jit3A_457 : i32 to vector<16xi32>
    %select_n3A_459 = arith.select %lt3A_427, %add3A_456, %broadcast_in_dim3A_458 : vector<16xi1>, vector<16xi32>
    %mul3A_460 = arith.constant 16 : i32
    %mul3A_461 = arith.muli %reduce_max3A_441, %mul3A_460 : i32
    %get3A_462 = arith.constant 8 : i32
    %get3A_463 = arith.index_cast %get3A_462 : i32 to index
    %get3A_464 = arith.index_cast %mul3A_461 : i32 to index
    %get3A_465 = tpu.vector_load %arg10[%get3A_463, %get3A_464] {strides = array<i32>} : memref<16x2048xf32, #tpu.memory_space<vmem>>, vector<16xf32>,
    tpu.vector_store_idx %arg12[%select_n3A_459], %get3A_465 masked %lt3A_427 {add = true} : memref<16384xf32, #tpu.memory_space<vmem>>[vector<16xi32>], vector<16xf32>, vector<16xi1>
    %broadcast_in_dim3A_466 = arith.constant 9 : i32
    %broadcast_in_dim3A_467 = vector.broadcast %broadcast_in_dim3A_466 : i32 to vector<16xi32>
    %lt3A_468 = vector.broadcast %select_n3A_17 : i32 to vector<16xi32>
    %lt3A_469 = arith.cmpi slt, %broadcast_in_dim3A_467, %lt3A_468 : vector<16xi32>
    %eq3A_470 = arith.constant 9 : i32
    %eq3A_471 = vector.broadcast %eq3A_470 : i32 to vector<16xi32>
    %eq3A_472 = arith.cmpi eq, %iota3A, %eq3A_471 : vector<16xi32>
    %jit3A_473 = arith.constant 0 : i32
    %broadcast_in_dim3A_474 = vector.broadcast %jit3A_473 : i32 to vector<16xi32>
    %select_n3A_475 = arith.select %eq3A_472, %get3A_55, %broadcast_in_dim3A_474 : vector<16xi1>, vector<16xi32>
    %reduce_max3A_476 = arith.constant true
    %reduce_max3A_477 = vector.broadcast %reduce_max3A_476 : i1 to vector<16xi1>
    %reduce_max3A_478 = arith.constant -2147483648 : i32
    %reduce_max3A_479 = vector.broadcast %reduce_max3A_478 : i32 to vector<16xi32>
    %reduce_max3A_480 = arith.xori %select_n3A_475, %reduce_max3A_479 : vector<16xi32>
    %reduce_max3A_481 = tpu.scan <max>, %reduce_max3A_480 masked %reduce_max3A_477 : vector<16xi32>, vector<16xi1> -> vector<16xi32>
    %reduce_max3A_482 = arith.xori %reduce_max3A_481, %reduce_max3A_479 : vector<16xi32>
    %reduce_max3A_483 = vector.extract %reduce_max3A_482[15] : i32 from vector<16xi32>
    %jit3A_484 = arith.constant 0 : i32
    %broadcast_in_dim3A_485 = vector.broadcast %jit3A_484 : i32 to vector<16xi32>
    %select_n3A_486 = arith.select %eq3A_472, %sub3A_90, %broadcast_in_dim3A_485 : vector<16xi1>, vector<16xi32>
    %reduce_max3A_487 = arith.constant true
    %reduce_max3A_488 = vector.broadcast %reduce_max3A_487 : i1 to vector<16xi1>
    %reduce_max3A_489 = arith.constant -2147483648 : i32
    %reduce_max3A_490 = vector.broadcast %reduce_max3A_489 : i32 to vector<16xi32>
    %reduce_max3A_491 = arith.xori %select_n3A_486, %reduce_max3A_490 : vector<16xi32>
    %reduce_max3A_492 = tpu.scan <max>, %reduce_max3A_491 masked %reduce_max3A_488 : vector<16xi32>, vector<16xi1> -> vector<16xi32>
    %reduce_max3A_493 = arith.xori %reduce_max3A_492, %reduce_max3A_490 : vector<16xi32>
    %reduce_max3A_494 = vector.extract %reduce_max3A_493[15] : i32 from vector<16xi32>
    %mul3A_495 = arith.constant 16 : i32
    %mul3A_496 = arith.muli %reduce_max3A_494, %mul3A_495 : i32
    %add3A_497 = vector.broadcast %mul3A_496 : i32 to vector<16xi32>
    %add3A_498 = arith.addi %add3A_497, %iota3A : vector<16xi32>
    %jit3A_499 = arith.constant 0 : i32
    %broadcast_in_dim3A_500 = vector.broadcast %jit3A_499 : i32 to vector<16xi32>
    %select_n3A_501 = arith.select %lt3A_469, %add3A_498, %broadcast_in_dim3A_500 : vector<16xi1>, vector<16xi32>
    %mul3A_502 = arith.constant 16 : i32
    %mul3A_503 = arith.muli %reduce_max3A_483, %mul3A_502 : i32
    %get3A_504 = arith.constant 9 : i32
    %get3A_505 = arith.index_cast %get3A_504 : i32 to index
    %get3A_506 = arith.index_cast %mul3A_503 : i32 to index
    %get3A_507 = tpu.vector_load %arg10[%get3A_505, %get3A_506] {strides = array<i32>} : memref<16x2048xf32, #tpu.memory_space<vmem>>, vector<16xf32>,
    tpu.vector_store_idx %arg12[%select_n3A_501], %get3A_507 masked %lt3A_469 {add = true} : memref<16384xf32, #tpu.memory_space<vmem>>[vector<16xi32>], vector<16xf32>, vector<16xi1>
    %broadcast_in_dim3A_508 = arith.constant 10 : i32
    %broadcast_in_dim3A_509 = vector.broadcast %broadcast_in_dim3A_508 : i32 to vector<16xi32>
    %lt3A_510 = vector.broadcast %select_n3A_17 : i32 to vector<16xi32>
    %lt3A_511 = arith.cmpi slt, %broadcast_in_dim3A_509, %lt3A_510 : vector<16xi32>
    %eq3A_512 = arith.constant 10 : i32
    %eq3A_513 = vector.broadcast %eq3A_512 : i32 to vector<16xi32>
    %eq3A_514 = arith.cmpi eq, %iota3A, %eq3A_513 : vector<16xi32>
    %jit3A_515 = arith.constant 0 : i32
    %broadcast_in_dim3A_516 = vector.broadcast %jit3A_515 : i32 to vector<16xi32>
    %select_n3A_517 = arith.select %eq3A_514, %get3A_55, %broadcast_in_dim3A_516 : vector<16xi1>, vector<16xi32>
    %reduce_max3A_518 = arith.constant true
    %reduce_max3A_519 = vector.broadcast %reduce_max3A_518 : i1 to vector<16xi1>
    %reduce_max3A_520 = arith.constant -2147483648 : i32
    %reduce_max3A_521 = vector.broadcast %reduce_max3A_520 : i32 to vector<16xi32>
    %reduce_max3A_522 = arith.xori %select_n3A_517, %reduce_max3A_521 : vector<16xi32>
    %reduce_max3A_523 = tpu.scan <max>, %reduce_max3A_522 masked %reduce_max3A_519 : vector<16xi32>, vector<16xi1> -> vector<16xi32>
    %reduce_max3A_524 = arith.xori %reduce_max3A_523, %reduce_max3A_521 : vector<16xi32>
    %reduce_max3A_525 = vector.extract %reduce_max3A_524[15] : i32 from vector<16xi32>
    %jit3A_526 = arith.constant 0 : i32
    %broadcast_in_dim3A_527 = vector.broadcast %jit3A_526 : i32 to vector<16xi32>
    %select_n3A_528 = arith.select %eq3A_514, %sub3A_90, %broadcast_in_dim3A_527 : vector<16xi1>, vector<16xi32>
    %reduce_max3A_529 = arith.constant true
    %reduce_max3A_530 = vector.broadcast %reduce_max3A_529 : i1 to vector<16xi1>
    %reduce_max3A_531 = arith.constant -2147483648 : i32
    %reduce_max3A_532 = vector.broadcast %reduce_max3A_531 : i32 to vector<16xi32>
    %reduce_max3A_533 = arith.xori %select_n3A_528, %reduce_max3A_532 : vector<16xi32>
    %reduce_max3A_534 = tpu.scan <max>, %reduce_max3A_533 masked %reduce_max3A_530 : vector<16xi32>, vector<16xi1> -> vector<16xi32>
    %reduce_max3A_535 = arith.xori %reduce_max3A_534, %reduce_max3A_532 : vector<16xi32>
    %reduce_max3A_536 = vector.extract %reduce_max3A_535[15] : i32 from vector<16xi32>
    %mul3A_537 = arith.constant 16 : i32
    %mul3A_538 = arith.muli %reduce_max3A_536, %mul3A_537 : i32
    %add3A_539 = vector.broadcast %mul3A_538 : i32 to vector<16xi32>
    %add3A_540 = arith.addi %add3A_539, %iota3A : vector<16xi32>
    %jit3A_541 = arith.constant 0 : i32
    %broadcast_in_dim3A_542 = vector.broadcast %jit3A_541 : i32 to vector<16xi32>
    %select_n3A_543 = arith.select %lt3A_511, %add3A_540, %broadcast_in_dim3A_542 : vector<16xi1>, vector<16xi32>
    %mul3A_544 = arith.constant 16 : i32
    %mul3A_545 = arith.muli %reduce_max3A_525, %mul3A_544 : i32
    %get3A_546 = arith.constant 10 : i32
    %get3A_547 = arith.index_cast %get3A_546 : i32 to index
    %get3A_548 = arith.index_cast %mul3A_545 : i32 to index
    %get3A_549 = tpu.vector_load %arg10[%get3A_547, %get3A_548] {strides = array<i32>} : memref<16x2048xf32, #tpu.memory_space<vmem>>, vector<16xf32>,
    tpu.vector_store_idx %arg12[%select_n3A_543], %get3A_549 masked %lt3A_511 {add = true} : memref<16384xf32, #tpu.memory_space<vmem>>[vector<16xi32>], vector<16xf32>, vector<16xi1>
    %broadcast_in_dim3A_550 = arith.constant 11 : i32
    %broadcast_in_dim3A_551 = vector.broadcast %broadcast_in_dim3A_550 : i32 to vector<16xi32>
    %lt3A_552 = vector.broadcast %select_n3A_17 : i32 to vector<16xi32>
    %lt3A_553 = arith.cmpi slt, %broadcast_in_dim3A_551, %lt3A_552 : vector<16xi32>
    %eq3A_554 = arith.constant 11 : i32
    %eq3A_555 = vector.broadcast %eq3A_554 : i32 to vector<16xi32>
    %eq3A_556 = arith.cmpi eq, %iota3A, %eq3A_555 : vector<16xi32>
    %jit3A_557 = arith.constant 0 : i32
    %broadcast_in_dim3A_558 = vector.broadcast %jit3A_557 : i32 to vector<16xi32>
    %select_n3A_559 = arith.select %eq3A_556, %get3A_55, %broadcast_in_dim3A_558 : vector<16xi1>, vector<16xi32>
    %reduce_max3A_560 = arith.constant true
    %reduce_max3A_561 = vector.broadcast %reduce_max3A_560 : i1 to vector<16xi1>
    %reduce_max3A_562 = arith.constant -2147483648 : i32
    %reduce_max3A_563 = vector.broadcast %reduce_max3A_562 : i32 to vector<16xi32>
    %reduce_max3A_564 = arith.xori %select_n3A_559, %reduce_max3A_563 : vector<16xi32>
    %reduce_max3A_565 = tpu.scan <max>, %reduce_max3A_564 masked %reduce_max3A_561 : vector<16xi32>, vector<16xi1> -> vector<16xi32>
    %reduce_max3A_566 = arith.xori %reduce_max3A_565, %reduce_max3A_563 : vector<16xi32>
    %reduce_max3A_567 = vector.extract %reduce_max3A_566[15] : i32 from vector<16xi32>
    %jit3A_568 = arith.constant 0 : i32
    %broadcast_in_dim3A_569 = vector.broadcast %jit3A_568 : i32 to vector<16xi32>
    %select_n3A_570 = arith.select %eq3A_556, %sub3A_90, %broadcast_in_dim3A_569 : vector<16xi1>, vector<16xi32>
    %reduce_max3A_571 = arith.constant true
    %reduce_max3A_572 = vector.broadcast %reduce_max3A_571 : i1 to vector<16xi1>
    %reduce_max3A_573 = arith.constant -2147483648 : i32
    %reduce_max3A_574 = vector.broadcast %reduce_max3A_573 : i32 to vector<16xi32>
    %reduce_max3A_575 = arith.xori %select_n3A_570, %reduce_max3A_574 : vector<16xi32>
    %reduce_max3A_576 = tpu.scan <max>, %reduce_max3A_575 masked %reduce_max3A_572 : vector<16xi32>, vector<16xi1> -> vector<16xi32>
    %reduce_max3A_577 = arith.xori %reduce_max3A_576, %reduce_max3A_574 : vector<16xi32>
    %reduce_max3A_578 = vector.extract %reduce_max3A_577[15] : i32 from vector<16xi32>
    %mul3A_579 = arith.constant 16 : i32
    %mul3A_580 = arith.muli %reduce_max3A_578, %mul3A_579 : i32
    %add3A_581 = vector.broadcast %mul3A_580 : i32 to vector<16xi32>
    %add3A_582 = arith.addi %add3A_581, %iota3A : vector<16xi32>
    %jit3A_583 = arith.constant 0 : i32
    %broadcast_in_dim3A_584 = vector.broadcast %jit3A_583 : i32 to vector<16xi32>
    %select_n3A_585 = arith.select %lt3A_553, %add3A_582, %broadcast_in_dim3A_584 : vector<16xi1>, vector<16xi32>
    %mul3A_586 = arith.constant 16 : i32
    %mul3A_587 = arith.muli %reduce_max3A_567, %mul3A_586 : i32
    %get3A_588 = arith.constant 11 : i32
    %get3A_589 = arith.index_cast %get3A_588 : i32 to index
    %get3A_590 = arith.index_cast %mul3A_587 : i32 to index
    %get3A_591 = tpu.vector_load %arg10[%get3A_589, %get3A_590] {strides = array<i32>} : memref<16x2048xf32, #tpu.memory_space<vmem>>, vector<16xf32>,
    tpu.vector_store_idx %arg12[%select_n3A_585], %get3A_591 masked %lt3A_553 {add = true} : memref<16384xf32, #tpu.memory_space<vmem>>[vector<16xi32>], vector<16xf32>, vector<16xi1>
    %broadcast_in_dim3A_592 = arith.constant 12 : i32
    %broadcast_in_dim3A_593 = vector.broadcast %broadcast_in_dim3A_592 : i32 to vector<16xi32>
    %lt3A_594 = vector.broadcast %select_n3A_17 : i32 to vector<16xi32>
    %lt3A_595 = arith.cmpi slt, %broadcast_in_dim3A_593, %lt3A_594 : vector<16xi32>
    %eq3A_596 = arith.constant 12 : i32
    %eq3A_597 = vector.broadcast %eq3A_596 : i32 to vector<16xi32>
    %eq3A_598 = arith.cmpi eq, %iota3A, %eq3A_597 : vector<16xi32>
    %jit3A_599 = arith.constant 0 : i32
    %broadcast_in_dim3A_600 = vector.broadcast %jit3A_599 : i32 to vector<16xi32>
    %select_n3A_601 = arith.select %eq3A_598, %get3A_55, %broadcast_in_dim3A_600 : vector<16xi1>, vector<16xi32>
    %reduce_max3A_602 = arith.constant true
    %reduce_max3A_603 = vector.broadcast %reduce_max3A_602 : i1 to vector<16xi1>
    %reduce_max3A_604 = arith.constant -2147483648 : i32
    %reduce_max3A_605 = vector.broadcast %reduce_max3A_604 : i32 to vector<16xi32>
    %reduce_max3A_606 = arith.xori %select_n3A_601, %reduce_max3A_605 : vector<16xi32>
    %reduce_max3A_607 = tpu.scan <max>, %reduce_max3A_606 masked %reduce_max3A_603 : vector<16xi32>, vector<16xi1> -> vector<16xi32>
    %reduce_max3A_608 = arith.xori %reduce_max3A_607, %reduce_max3A_605 : vector<16xi32>
    %reduce_max3A_609 = vector.extract %reduce_max3A_608[15] : i32 from vector<16xi32>
    %jit3A_610 = arith.constant 0 : i32
    %broadcast_in_dim3A_611 = vector.broadcast %jit3A_610 : i32 to vector<16xi32>
    %select_n3A_612 = arith.select %eq3A_598, %sub3A_90, %broadcast_in_dim3A_611 : vector<16xi1>, vector<16xi32>
    %reduce_max3A_613 = arith.constant true
    %reduce_max3A_614 = vector.broadcast %reduce_max3A_613 : i1 to vector<16xi1>
    %reduce_max3A_615 = arith.constant -2147483648 : i32
    %reduce_max3A_616 = vector.broadcast %reduce_max3A_615 : i32 to vector<16xi32>
    %reduce_max3A_617 = arith.xori %select_n3A_612, %reduce_max3A_616 : vector<16xi32>
    %reduce_max3A_618 = tpu.scan <max>, %reduce_max3A_617 masked %reduce_max3A_614 : vector<16xi32>, vector<16xi1> -> vector<16xi32>
    %reduce_max3A_619 = arith.xori %reduce_max3A_618, %reduce_max3A_616 : vector<16xi32>
    %reduce_max3A_620 = vector.extract %reduce_max3A_619[15] : i32 from vector<16xi32>
    %mul3A_621 = arith.constant 16 : i32
    %mul3A_622 = arith.muli %reduce_max3A_620, %mul3A_621 : i32
    %add3A_623 = vector.broadcast %mul3A_622 : i32 to vector<16xi32>
    %add3A_624 = arith.addi %add3A_623, %iota3A : vector<16xi32>
    %jit3A_625 = arith.constant 0 : i32
    %broadcast_in_dim3A_626 = vector.broadcast %jit3A_625 : i32 to vector<16xi32>
    %select_n3A_627 = arith.select %lt3A_595, %add3A_624, %broadcast_in_dim3A_626 : vector<16xi1>, vector<16xi32>
    %mul3A_628 = arith.constant 16 : i32
    %mul3A_629 = arith.muli %reduce_max3A_609, %mul3A_628 : i32
    %get3A_630 = arith.constant 12 : i32
    %get3A_631 = arith.index_cast %get3A_630 : i32 to index
    %get3A_632 = arith.index_cast %mul3A_629 : i32 to index
    %get3A_633 = tpu.vector_load %arg10[%get3A_631, %get3A_632] {strides = array<i32>} : memref<16x2048xf32, #tpu.memory_space<vmem>>, vector<16xf32>,
    tpu.vector_store_idx %arg12[%select_n3A_627], %get3A_633 masked %lt3A_595 {add = true} : memref<16384xf32, #tpu.memory_space<vmem>>[vector<16xi32>], vector<16xf32>, vector<16xi1>
    %broadcast_in_dim3A_634 = arith.constant 13 : i32
    %broadcast_in_dim3A_635 = vector.broadcast %broadcast_in_dim3A_634 : i32 to vector<16xi32>
    %lt3A_636 = vector.broadcast %select_n3A_17 : i32 to vector<16xi32>
    %lt3A_637 = arith.cmpi slt, %broadcast_in_dim3A_635, %lt3A_636 : vector<16xi32>
    %eq3A_638 = arith.constant 13 : i32
    %eq3A_639 = vector.broadcast %eq3A_638 : i32 to vector<16xi32>
    %eq3A_640 = arith.cmpi eq, %iota3A, %eq3A_639 : vector<16xi32>
    %jit3A_641 = arith.constant 0 : i32
    %broadcast_in_dim3A_642 = vector.broadcast %jit3A_641 : i32 to vector<16xi32>
    %select_n3A_643 = arith.select %eq3A_640, %get3A_55, %broadcast_in_dim3A_642 : vector<16xi1>, vector<16xi32>
    %reduce_max3A_644 = arith.constant true
    %reduce_max3A_645 = vector.broadcast %reduce_max3A_644 : i1 to vector<16xi1>
    %reduce_max3A_646 = arith.constant -2147483648 : i32
    %reduce_max3A_647 = vector.broadcast %reduce_max3A_646 : i32 to vector<16xi32>
    %reduce_max3A_648 = arith.xori %select_n3A_643, %reduce_max3A_647 : vector<16xi32>
    %reduce_max3A_649 = tpu.scan <max>, %reduce_max3A_648 masked %reduce_max3A_645 : vector<16xi32>, vector<16xi1> -> vector<16xi32>
    %reduce_max3A_650 = arith.xori %reduce_max3A_649, %reduce_max3A_647 : vector<16xi32>
    %reduce_max3A_651 = vector.extract %reduce_max3A_650[15] : i32 from vector<16xi32>
    %jit3A_652 = arith.constant 0 : i32
    %broadcast_in_dim3A_653 = vector.broadcast %jit3A_652 : i32 to vector<16xi32>
    %select_n3A_654 = arith.select %eq3A_640, %sub3A_90, %broadcast_in_dim3A_653 : vector<16xi1>, vector<16xi32>
    %reduce_max3A_655 = arith.constant true
    %reduce_max3A_656 = vector.broadcast %reduce_max3A_655 : i1 to vector<16xi1>
    %reduce_max3A_657 = arith.constant -2147483648 : i32
    %reduce_max3A_658 = vector.broadcast %reduce_max3A_657 : i32 to vector<16xi32>
    %reduce_max3A_659 = arith.xori %select_n3A_654, %reduce_max3A_658 : vector<16xi32>
    %reduce_max3A_660 = tpu.scan <max>, %reduce_max3A_659 masked %reduce_max3A_656 : vector<16xi32>, vector<16xi1> -> vector<16xi32>
    %reduce_max3A_661 = arith.xori %reduce_max3A_660, %reduce_max3A_658 : vector<16xi32>
    %reduce_max3A_662 = vector.extract %reduce_max3A_661[15] : i32 from vector<16xi32>
    %mul3A_663 = arith.constant 16 : i32
    %mul3A_664 = arith.muli %reduce_max3A_662, %mul3A_663 : i32
    %add3A_665 = vector.broadcast %mul3A_664 : i32 to vector<16xi32>
    %add3A_666 = arith.addi %add3A_665, %iota3A : vector<16xi32>
    %jit3A_667 = arith.constant 0 : i32
    %broadcast_in_dim3A_668 = vector.broadcast %jit3A_667 : i32 to vector<16xi32>
    %select_n3A_669 = arith.select %lt3A_637, %add3A_666, %broadcast_in_dim3A_668 : vector<16xi1>, vector<16xi32>
    %mul3A_670 = arith.constant 16 : i32
    %mul3A_671 = arith.muli %reduce_max3A_651, %mul3A_670 : i32
    %get3A_672 = arith.constant 13 : i32
    %get3A_673 = arith.index_cast %get3A_672 : i32 to index
    %get3A_674 = arith.index_cast %mul3A_671 : i32 to index
    %get3A_675 = tpu.vector_load %arg10[%get3A_673, %get3A_674] {strides = array<i32>} : memref<16x2048xf32, #tpu.memory_space<vmem>>, vector<16xf32>,
    tpu.vector_store_idx %arg12[%select_n3A_669], %get3A_675 masked %lt3A_637 {add = true} : memref<16384xf32, #tpu.memory_space<vmem>>[vector<16xi32>], vector<16xf32>, vector<16xi1>
    %broadcast_in_dim3A_676 = arith.constant 14 : i32
    %broadcast_in_dim3A_677 = vector.broadcast %broadcast_in_dim3A_676 : i32 to vector<16xi32>
    %lt3A_678 = vector.broadcast %select_n3A_17 : i32 to vector<16xi32>
    %lt3A_679 = arith.cmpi slt, %broadcast_in_dim3A_677, %lt3A_678 : vector<16xi32>
    %eq3A_680 = arith.constant 14 : i32
    %eq3A_681 = vector.broadcast %eq3A_680 : i32 to vector<16xi32>
    %eq3A_682 = arith.cmpi eq, %iota3A, %eq3A_681 : vector<16xi32>
    %jit3A_683 = arith.constant 0 : i32
    %broadcast_in_dim3A_684 = vector.broadcast %jit3A_683 : i32 to vector<16xi32>
    %select_n3A_685 = arith.select %eq3A_682, %get3A_55, %broadcast_in_dim3A_684 : vector<16xi1>, vector<16xi32>
    %reduce_max3A_686 = arith.constant true
    %reduce_max3A_687 = vector.broadcast %reduce_max3A_686 : i1 to vector<16xi1>
    %reduce_max3A_688 = arith.constant -2147483648 : i32
    %reduce_max3A_689 = vector.broadcast %reduce_max3A_688 : i32 to vector<16xi32>
    %reduce_max3A_690 = arith.xori %select_n3A_685, %reduce_max3A_689 : vector<16xi32>
    %reduce_max3A_691 = tpu.scan <max>, %reduce_max3A_690 masked %reduce_max3A_687 : vector<16xi32>, vector<16xi1> -> vector<16xi32>
    %reduce_max3A_692 = arith.xori %reduce_max3A_691, %reduce_max3A_689 : vector<16xi32>
    %reduce_max3A_693 = vector.extract %reduce_max3A_692[15] : i32 from vector<16xi32>
    %jit3A_694 = arith.constant 0 : i32
    %broadcast_in_dim3A_695 = vector.broadcast %jit3A_694 : i32 to vector<16xi32>
    %select_n3A_696 = arith.select %eq3A_682, %sub3A_90, %broadcast_in_dim3A_695 : vector<16xi1>, vector<16xi32>
    %reduce_max3A_697 = arith.constant true
    %reduce_max3A_698 = vector.broadcast %reduce_max3A_697 : i1 to vector<16xi1>
    %reduce_max3A_699 = arith.constant -2147483648 : i32
    %reduce_max3A_700 = vector.broadcast %reduce_max3A_699 : i32 to vector<16xi32>
    %reduce_max3A_701 = arith.xori %select_n3A_696, %reduce_max3A_700 : vector<16xi32>
    %reduce_max3A_702 = tpu.scan <max>, %reduce_max3A_701 masked %reduce_max3A_698 : vector<16xi32>, vector<16xi1> -> vector<16xi32>
    %reduce_max3A_703 = arith.xori %reduce_max3A_702, %reduce_max3A_700 : vector<16xi32>
    %reduce_max3A_704 = vector.extract %reduce_max3A_703[15] : i32 from vector<16xi32>
    %mul3A_705 = arith.constant 16 : i32
    %mul3A_706 = arith.muli %reduce_max3A_704, %mul3A_705 : i32
    %add3A_707 = vector.broadcast %mul3A_706 : i32 to vector<16xi32>
    %add3A_708 = arith.addi %add3A_707, %iota3A : vector<16xi32>
    %jit3A_709 = arith.constant 0 : i32
    %broadcast_in_dim3A_710 = vector.broadcast %jit3A_709 : i32 to vector<16xi32>
    %select_n3A_711 = arith.select %lt3A_679, %add3A_708, %broadcast_in_dim3A_710 : vector<16xi1>, vector<16xi32>
    %mul3A_712 = arith.constant 16 : i32
    %mul3A_713 = arith.muli %reduce_max3A_693, %mul3A_712 : i32
    %get3A_714 = arith.constant 14 : i32
    %get3A_715 = arith.index_cast %get3A_714 : i32 to index
    %get3A_716 = arith.index_cast %mul3A_713 : i32 to index
    %get3A_717 = tpu.vector_load %arg10[%get3A_715, %get3A_716] {strides = array<i32>} : memref<16x2048xf32, #tpu.memory_space<vmem>>, vector<16xf32>,
    tpu.vector_store_idx %arg12[%select_n3A_711], %get3A_717 masked %lt3A_679 {add = true} : memref<16384xf32, #tpu.memory_space<vmem>>[vector<16xi32>], vector<16xf32>, vector<16xi1>
    %broadcast_in_dim3A_718 = arith.constant 15 : i32
    %broadcast_in_dim3A_719 = vector.broadcast %broadcast_in_dim3A_718 : i32 to vector<16xi32>
    %lt3A_720 = vector.broadcast %select_n3A_17 : i32 to vector<16xi32>
    %lt3A_721 = arith.cmpi slt, %broadcast_in_dim3A_719, %lt3A_720 : vector<16xi32>
    %eq3A_722 = arith.constant 15 : i32
    %eq3A_723 = vector.broadcast %eq3A_722 : i32 to vector<16xi32>
    %eq3A_724 = arith.cmpi eq, %iota3A, %eq3A_723 : vector<16xi32>
    %jit3A_725 = arith.constant 0 : i32
    %broadcast_in_dim3A_726 = vector.broadcast %jit3A_725 : i32 to vector<16xi32>
    %select_n3A_727 = arith.select %eq3A_724, %get3A_55, %broadcast_in_dim3A_726 : vector<16xi1>, vector<16xi32>
    %reduce_max3A_728 = arith.constant true
    %reduce_max3A_729 = vector.broadcast %reduce_max3A_728 : i1 to vector<16xi1>
    %reduce_max3A_730 = arith.constant -2147483648 : i32
    %reduce_max3A_731 = vector.broadcast %reduce_max3A_730 : i32 to vector<16xi32>
    %reduce_max3A_732 = arith.xori %select_n3A_727, %reduce_max3A_731 : vector<16xi32>
    %reduce_max3A_733 = tpu.scan <max>, %reduce_max3A_732 masked %reduce_max3A_729 : vector<16xi32>, vector<16xi1> -> vector<16xi32>
    %reduce_max3A_734 = arith.xori %reduce_max3A_733, %reduce_max3A_731 : vector<16xi32>
    %reduce_max3A_735 = vector.extract %reduce_max3A_734[15] : i32 from vector<16xi32>
    %jit3A_736 = arith.constant 0 : i32
    %broadcast_in_dim3A_737 = vector.broadcast %jit3A_736 : i32 to vector<16xi32>
    %select_n3A_738 = arith.select %eq3A_724, %sub3A_90, %broadcast_in_dim3A_737 : vector<16xi1>, vector<16xi32>
    %reduce_max3A_739 = arith.constant true
    %reduce_max3A_740 = vector.broadcast %reduce_max3A_739 : i1 to vector<16xi1>
    %reduce_max3A_741 = arith.constant -2147483648 : i32
    %reduce_max3A_742 = vector.broadcast %reduce_max3A_741 : i32 to vector<16xi32>
    %reduce_max3A_743 = arith.xori %select_n3A_738, %reduce_max3A_742 : vector<16xi32>
    %reduce_max3A_744 = tpu.scan <max>, %reduce_max3A_743 masked %reduce_max3A_740 : vector<16xi32>, vector<16xi1> -> vector<16xi32>
    %reduce_max3A_745 = arith.xori %reduce_max3A_744, %reduce_max3A_742 : vector<16xi32>
    %reduce_max3A_746 = vector.extract %reduce_max3A_745[15] : i32 from vector<16xi32>
    %mul3A_747 = arith.constant 16 : i32
    %mul3A_748 = arith.muli %reduce_max3A_746, %mul3A_747 : i32
    %add3A_749 = vector.broadcast %mul3A_748 : i32 to vector<16xi32>
    %add3A_750 = arith.addi %add3A_749, %iota3A : vector<16xi32>
    %jit3A_751 = arith.constant 0 : i32
    %broadcast_in_dim3A_752 = vector.broadcast %jit3A_751 : i32 to vector<16xi32>
    %select_n3A_753 = arith.select %lt3A_721, %add3A_750, %broadcast_in_dim3A_752 : vector<16xi1>, vector<16xi32>
    %mul3A_754 = arith.constant 16 : i32
    %mul3A_755 = arith.muli %reduce_max3A_735, %mul3A_754 : i32
    %get3A_756 = arith.constant 15 : i32
    %get3A_757 = arith.index_cast %get3A_756 : i32 to index
    %get3A_758 = arith.index_cast %mul3A_755 : i32 to index
    %get3A_759 = tpu.vector_load %arg10[%get3A_757, %get3A_758] {strides = array<i32>} : memref<16x2048xf32, #tpu.memory_space<vmem>>, vector<16xf32>,
    tpu.vector_store_idx %arg12[%select_n3A_753], %get3A_759 masked %lt3A_721 {add = true} : memref<16384xf32, #tpu.memory_space<vmem>>[vector<16xi32>], vector<16xf32>, vector<16xi1>
    %convert_element_type3A_760 = arith.extui %ge3A_18 : i1 to i32
    %cond3A_761 = arith.constant 0 : i32
    %cond3A_762 = arith.cmpi ne, %convert_element_type3A_760, %cond3A_761 : i32
    scf.if %cond3A_762 {
      %get3A_765 = arith.constant 0 : index
      %get3A_766 = tpu.vector_load %arg8[%get3A_765] {strides = array<i32>} : memref<16xi32, #tpu.memory_space<vmem>>, vector<16xi32>,
      %dma_wait3A_767 = arith.constant 0 : i32
      %dma_wait3A_768 = arith.constant 0 : i32
      %dma_wait3A_769 = tpu.memref_slice %arg4[%dma_wait3A_767, %dma_wait3A_768] : memref<256x2048xf32, #tpu.memory_space<hbm>> -> memref<256x2048xf32, #tpu.memory_space<hbm>>
      tpu.wait_indirect_dma semaphore(%arg15 : memref<!tpu.dma_semaphore, #tpu.memory_space<semaphore_mem>>) src(%dma_wait3A_769 : memref<256x2048xf32, #tpu.memory_space<hbm>>) dst(%arg11 : memref<16x2048xf32, #tpu.memory_space<vmem>>)
      %get3A_770 = arith.constant 0 : index
      %get3A_771 = tpu.vector_load %arg9[%get3A_770] {strides = array<i32>} : memref<16xi32, #tpu.memory_space<vmem>>, vector<16xi32>,
      %add3A_772 = vector.broadcast %select_n3A_25 : i32 to vector<16xi32>
      %add3A_773 = arith.addi %add3A_772, %iota3A : vector<16xi32>
      %lt3A_774 = arith.constant 128 : i32
      %lt3A_775 = vector.broadcast %lt3A_774 : i32 to vector<16xi32>
      %lt3A_776 = arith.cmpi slt, %add3A_773, %lt3A_775 : vector<16xi32>
      %lt3A_777 = arith.constant 256 : i32
      %lt3A_778 = vector.broadcast %lt3A_777 : i32 to vector<16xi32>
      %lt3A_779 = arith.cmpi slt, %add3A_773, %lt3A_778 : vector<16xi32>
      %sub3A_780 = arith.constant 128 : i32
      %sub3A_781 = vector.broadcast %sub3A_780 : i32 to vector<16xi32>
      %sub3A_782 = arith.subi %add3A_773, %sub3A_781 : vector<16xi32>
      %shift_right_arithmetic3A_783 = arith.constant 1 : i32
      %shift_right_arithmetic3A_784 = vector.broadcast %shift_right_arithmetic3A_783 : i32 to vector<16xi32>
      %shift_right_arithmetic3A_785 = arith.shrsi %sub3A_782, %shift_right_arithmetic3A_784 : vector<16xi32>
      %add3A_786 = arith.constant 128 : i32
      %add3A_787 = vector.broadcast %add3A_786 : i32 to vector<16xi32>
      %add3A_788 = arith.addi %add3A_787, %shift_right_arithmetic3A_785 : vector<16xi32>
      %sub3A_789 = arith.constant 256 : i32
      %sub3A_790 = vector.broadcast %sub3A_789 : i32 to vector<16xi32>
      %sub3A_791 = arith.subi %add3A_773, %sub3A_790 : vector<16xi32>
      %shift_right_arithmetic3A_792 = arith.constant 2 : i32
      %shift_right_arithmetic3A_793 = vector.broadcast %shift_right_arithmetic3A_792 : i32 to vector<16xi32>
      %shift_right_arithmetic3A_794 = arith.shrsi %sub3A_791, %shift_right_arithmetic3A_793 : vector<16xi32>
      %add3A_795 = arith.constant 192 : i32
      %add3A_796 = vector.broadcast %add3A_795 : i32 to vector<16xi32>
      %add3A_797 = arith.addi %add3A_796, %shift_right_arithmetic3A_794 : vector<16xi32>
      %select_n3A_798 = arith.select %lt3A_779, %add3A_788, %add3A_797 : vector<16xi1>, vector<16xi32>
      %select_n3A_799 = arith.select %lt3A_776, %add3A_773, %select_n3A_798 : vector<16xi1>, vector<16xi32>
      %mul3A_800 = arith.constant 128 : i32
      %mul3A_801 = vector.broadcast %mul3A_800 : i32 to vector<16xi32>
      %mul3A_802 = arith.muli %select_n3A_799, %mul3A_801 : vector<16xi32>
      %add3A_803 = arith.addi %mul3A_802, %get3A_771 : vector<16xi32>
      %mul3A_804 = arith.constant 1024 : i32
      %mul3A_805 = arith.muli %add3A, %mul3A_804 : i32
      %sub3A_806 = vector.broadcast %mul3A_805 : i32 to vector<16xi32>
      %sub3A_807 = arith.subi %add3A_803, %sub3A_806 : vector<16xi32>
      %broadcast_in_dim3A_808 = arith.constant 0 : i32
      %broadcast_in_dim3A_809 = vector.broadcast %broadcast_in_dim3A_808 : i32 to vector<16xi32>
      %lt3A_810 = arith.constant 16 : i32
      %lt3A_811 = vector.broadcast %lt3A_810 : i32 to vector<16xi32>
      %lt3A_812 = arith.cmpi slt, %broadcast_in_dim3A_809, %lt3A_811 : vector<16xi32>
      %eq3A_813 = arith.constant 0 : i32
      %eq3A_814 = vector.broadcast %eq3A_813 : i32 to vector<16xi32>
      %eq3A_815 = arith.cmpi eq, %iota3A, %eq3A_814 : vector<16xi32>
      %jit3A_816 = arith.constant 0 : i32
      %broadcast_in_dim3A_817 = vector.broadcast %jit3A_816 : i32 to vector<16xi32>
      %select_n3A_818 = arith.select %eq3A_815, %get3A_771, %broadcast_in_dim3A_817 : vector<16xi1>, vector<16xi32>
      %reduce_max3A_819 = arith.constant true
      %reduce_max3A_820 = vector.broadcast %reduce_max3A_819 : i1 to vector<16xi1>
      %reduce_max3A_821 = arith.constant -2147483648 : i32
      %reduce_max3A_822 = vector.broadcast %reduce_max3A_821 : i32 to vector<16xi32>
      %reduce_max3A_823 = arith.xori %select_n3A_818, %reduce_max3A_822 : vector<16xi32>
      %reduce_max3A_824 = tpu.scan <max>, %reduce_max3A_823 masked %reduce_max3A_820 : vector<16xi32>, vector<16xi1> -> vector<16xi32>
      %reduce_max3A_825 = arith.xori %reduce_max3A_824, %reduce_max3A_822 : vector<16xi32>
      %reduce_max3A_826 = vector.extract %reduce_max3A_825[15] : i32 from vector<16xi32>
      %jit3A_827 = arith.constant 0 : i32
      %broadcast_in_dim3A_828 = vector.broadcast %jit3A_827 : i32 to vector<16xi32>
      %select_n3A_829 = arith.select %eq3A_815, %sub3A_807, %broadcast_in_dim3A_828 : vector<16xi1>, vector<16xi32>
      %reduce_max3A_830 = arith.constant true
      %reduce_max3A_831 = vector.broadcast %reduce_max3A_830 : i1 to vector<16xi1>
      %reduce_max3A_832 = arith.constant -2147483648 : i32
      %reduce_max3A_833 = vector.broadcast %reduce_max3A_832 : i32 to vector<16xi32>
      %reduce_max3A_834 = arith.xori %select_n3A_829, %reduce_max3A_833 : vector<16xi32>
      %reduce_max3A_835 = tpu.scan <max>, %reduce_max3A_834 masked %reduce_max3A_831 : vector<16xi32>, vector<16xi1> -> vector<16xi32>
      %reduce_max3A_836 = arith.xori %reduce_max3A_835, %reduce_max3A_833 : vector<16xi32>
      %reduce_max3A_837 = vector.extract %reduce_max3A_836[15] : i32 from vector<16xi32>
      %mul3A_838 = arith.constant 16 : i32
      %mul3A_839 = arith.muli %reduce_max3A_837, %mul3A_838 : i32
      %add3A_840 = vector.broadcast %mul3A_839 : i32 to vector<16xi32>
      %add3A_841 = arith.addi %add3A_840, %iota3A : vector<16xi32>
      %jit3A_842 = arith.constant 0 : i32
      %broadcast_in_dim3A_843 = vector.broadcast %jit3A_842 : i32 to vector<16xi32>
      %select_n3A_844 = arith.select %lt3A_812, %add3A_841, %broadcast_in_dim3A_843 : vector<16xi1>, vector<16xi32>
      %mul3A_845 = arith.constant 16 : i32
      %mul3A_846 = arith.muli %reduce_max3A_826, %mul3A_845 : i32
      %get3A_847 = arith.constant 0 : i32
      %get3A_848 = arith.index_cast %get3A_847 : i32 to index
      %get3A_849 = arith.index_cast %mul3A_846 : i32 to index
      %get3A_850 = tpu.vector_load %arg11[%get3A_848, %get3A_849] {strides = array<i32>} : memref<16x2048xf32, #tpu.memory_space<vmem>>, vector<16xf32>,
      tpu.vector_store_idx %arg12[%select_n3A_844], %get3A_850 masked %lt3A_812 {add = true} : memref<16384xf32, #tpu.memory_space<vmem>>[vector<16xi32>], vector<16xf32>, vector<16xi1>
      %broadcast_in_dim3A_851 = arith.constant 1 : i32
      %broadcast_in_dim3A_852 = vector.broadcast %broadcast_in_dim3A_851 : i32 to vector<16xi32>
      %lt3A_853 = arith.constant 16 : i32
      %lt3A_854 = vector.broadcast %lt3A_853 : i32 to vector<16xi32>
      %lt3A_855 = arith.cmpi slt, %broadcast_in_dim3A_852, %lt3A_854 : vector<16xi32>
      %eq3A_856 = arith.constant 1 : i32
      %eq3A_857 = vector.broadcast %eq3A_856 : i32 to vector<16xi32>
      %eq3A_858 = arith.cmpi eq, %iota3A, %eq3A_857 : vector<16xi32>
      %jit3A_859 = arith.constant 0 : i32
      %broadcast_in_dim3A_860 = vector.broadcast %jit3A_859 : i32 to vector<16xi32>
      %select_n3A_861 = arith.select %eq3A_858, %get3A_771, %broadcast_in_dim3A_860 : vector<16xi1>, vector<16xi32>
      %reduce_max3A_862 = arith.constant true
      %reduce_max3A_863 = vector.broadcast %reduce_max3A_862 : i1 to vector<16xi1>
      %reduce_max3A_864 = arith.constant -2147483648 : i32
      %reduce_max3A_865 = vector.broadcast %reduce_max3A_864 : i32 to vector<16xi32>
      %reduce_max3A_866 = arith.xori %select_n3A_861, %reduce_max3A_865 : vector<16xi32>
      %reduce_max3A_867 = tpu.scan <max>, %reduce_max3A_866 masked %reduce_max3A_863 : vector<16xi32>, vector<16xi1> -> vector<16xi32>
      %reduce_max3A_868 = arith.xori %reduce_max3A_867, %reduce_max3A_865 : vector<16xi32>
      %reduce_max3A_869 = vector.extract %reduce_max3A_868[15] : i32 from vector<16xi32>
      %jit3A_870 = arith.constant 0 : i32
      %broadcast_in_dim3A_871 = vector.broadcast %jit3A_870 : i32 to vector<16xi32>
      %select_n3A_872 = arith.select %eq3A_858, %sub3A_807, %broadcast_in_dim3A_871 : vector<16xi1>, vector<16xi32>
      %reduce_max3A_873 = arith.constant true
      %reduce_max3A_874 = vector.broadcast %reduce_max3A_873 : i1 to vector<16xi1>
      %reduce_max3A_875 = arith.constant -2147483648 : i32
      %reduce_max3A_876 = vector.broadcast %reduce_max3A_875 : i32 to vector<16xi32>
      %reduce_max3A_877 = arith.xori %select_n3A_872, %reduce_max3A_876 : vector<16xi32>
      %reduce_max3A_878 = tpu.scan <max>, %reduce_max3A_877 masked %reduce_max3A_874 : vector<16xi32>, vector<16xi1> -> vector<16xi32>
      %reduce_max3A_879 = arith.xori %reduce_max3A_878, %reduce_max3A_876 : vector<16xi32>
      %reduce_max3A_880 = vector.extract %reduce_max3A_879[15] : i32 from vector<16xi32>
      %mul3A_881 = arith.constant 16 : i32
      %mul3A_882 = arith.muli %reduce_max3A_880, %mul3A_881 : i32
      %add3A_883 = vector.broadcast %mul3A_882 : i32 to vector<16xi32>
      %add3A_884 = arith.addi %add3A_883, %iota3A : vector<16xi32>
      %jit3A_885 = arith.constant 0 : i32
      %broadcast_in_dim3A_886 = vector.broadcast %jit3A_885 : i32 to vector<16xi32>
      %select_n3A_887 = arith.select %lt3A_855, %add3A_884, %broadcast_in_dim3A_886 : vector<16xi1>, vector<16xi32>
      %mul3A_888 = arith.constant 16 : i32
      %mul3A_889 = arith.muli %reduce_max3A_869, %mul3A_888 : i32
      %get3A_890 = arith.constant 1 : i32
      %get3A_891 = arith.index_cast %get3A_890 : i32 to index
      %get3A_892 = arith.index_cast %mul3A_889 : i32 to index
      %get3A_893 = tpu.vector_load %arg11[%get3A_891, %get3A_892] {strides = array<i32>} : memref<16x2048xf32, #tpu.memory_space<vmem>>, vector<16xf32>,
      tpu.vector_store_idx %arg12[%select_n3A_887], %get3A_893 masked %lt3A_855 {add = true} : memref<16384xf32, #tpu.memory_space<vmem>>[vector<16xi32>], vector<16xf32>, vector<16xi1>
      %broadcast_in_dim3A_894 = arith.constant 2 : i32
      %broadcast_in_dim3A_895 = vector.broadcast %broadcast_in_dim3A_894 : i32 to vector<16xi32>
      %lt3A_896 = arith.constant 16 : i32
      %lt3A_897 = vector.broadcast %lt3A_896 : i32 to vector<16xi32>
      %lt3A_898 = arith.cmpi slt, %broadcast_in_dim3A_895, %lt3A_897 : vector<16xi32>
      %eq3A_899 = arith.constant 2 : i32
      %eq3A_900 = vector.broadcast %eq3A_899 : i32 to vector<16xi32>
      %eq3A_901 = arith.cmpi eq, %iota3A, %eq3A_900 : vector<16xi32>
      %jit3A_902 = arith.constant 0 : i32
      %broadcast_in_dim3A_903 = vector.broadcast %jit3A_902 : i32 to vector<16xi32>
      %select_n3A_904 = arith.select %eq3A_901, %get3A_771, %broadcast_in_dim3A_903 : vector<16xi1>, vector<16xi32>
      %reduce_max3A_905 = arith.constant true
      %reduce_max3A_906 = vector.broadcast %reduce_max3A_905 : i1 to vector<16xi1>
      %reduce_max3A_907 = arith.constant -2147483648 : i32
      %reduce_max3A_908 = vector.broadcast %reduce_max3A_907 : i32 to vector<16xi32>
      %reduce_max3A_909 = arith.xori %select_n3A_904, %reduce_max3A_908 : vector<16xi32>
      %reduce_max3A_910 = tpu.scan <max>, %reduce_max3A_909 masked %reduce_max3A_906 : vector<16xi32>, vector<16xi1> -> vector<16xi32>
      %reduce_max3A_911 = arith.xori %reduce_max3A_910, %reduce_max3A_908 : vector<16xi32>
      %reduce_max3A_912 = vector.extract %reduce_max3A_911[15] : i32 from vector<16xi32>
      %jit3A_913 = arith.constant 0 : i32
      %broadcast_in_dim3A_914 = vector.broadcast %jit3A_913 : i32 to vector<16xi32>
      %select_n3A_915 = arith.select %eq3A_901, %sub3A_807, %broadcast_in_dim3A_914 : vector<16xi1>, vector<16xi32>
      %reduce_max3A_916 = arith.constant true
      %reduce_max3A_917 = vector.broadcast %reduce_max3A_916 : i1 to vector<16xi1>
      %reduce_max3A_918 = arith.constant -2147483648 : i32
      %reduce_max3A_919 = vector.broadcast %reduce_max3A_918 : i32 to vector<16xi32>
      %reduce_max3A_920 = arith.xori %select_n3A_915, %reduce_max3A_919 : vector<16xi32>
      %reduce_max3A_921 = tpu.scan <max>, %reduce_max3A_920 masked %reduce_max3A_917 : vector<16xi32>, vector<16xi1> -> vector<16xi32>
      %reduce_max3A_922 = arith.xori %reduce_max3A_921, %reduce_max3A_919 : vector<16xi32>
      %reduce_max3A_923 = vector.extract %reduce_max3A_922[15] : i32 from vector<16xi32>
      %mul3A_924 = arith.constant 16 : i32
      %mul3A_925 = arith.muli %reduce_max3A_923, %mul3A_924 : i32
      %add3A_926 = vector.broadcast %mul3A_925 : i32 to vector<16xi32>
      %add3A_927 = arith.addi %add3A_926, %iota3A : vector<16xi32>
      %jit3A_928 = arith.constant 0 : i32
      %broadcast_in_dim3A_929 = vector.broadcast %jit3A_928 : i32 to vector<16xi32>
      %select_n3A_930 = arith.select %lt3A_898, %add3A_927, %broadcast_in_dim3A_929 : vector<16xi1>, vector<16xi32>
      %mul3A_931 = arith.constant 16 : i32
      %mul3A_932 = arith.muli %reduce_max3A_912, %mul3A_931 : i32
      %get3A_933 = arith.constant 2 : i32
      %get3A_934 = arith.index_cast %get3A_933 : i32 to index
      %get3A_935 = arith.index_cast %mul3A_932 : i32 to index
      %get3A_936 = tpu.vector_load %arg11[%get3A_934, %get3A_935] {strides = array<i32>} : memref<16x2048xf32, #tpu.memory_space<vmem>>, vector<16xf32>,
      tpu.vector_store_idx %arg12[%select_n3A_930], %get3A_936 masked %lt3A_898 {add = true} : memref<16384xf32, #tpu.memory_space<vmem>>[vector<16xi32>], vector<16xf32>, vector<16xi1>
      %broadcast_in_dim3A_937 = arith.constant 3 : i32
      %broadcast_in_dim3A_938 = vector.broadcast %broadcast_in_dim3A_937 : i32 to vector<16xi32>
      %lt3A_939 = arith.constant 16 : i32
      %lt3A_940 = vector.broadcast %lt3A_939 : i32 to vector<16xi32>
      %lt3A_941 = arith.cmpi slt, %broadcast_in_dim3A_938, %lt3A_940 : vector<16xi32>
      %eq3A_942 = arith.constant 3 : i32
      %eq3A_943 = vector.broadcast %eq3A_942 : i32 to vector<16xi32>
      %eq3A_944 = arith.cmpi eq, %iota3A, %eq3A_943 : vector<16xi32>
      %jit3A_945 = arith.constant 0 : i32
      %broadcast_in_dim3A_946 = vector.broadcast %jit3A_945 : i32 to vector<16xi32>
      %select_n3A_947 = arith.select %eq3A_944, %get3A_771, %broadcast_in_dim3A_946 : vector<16xi1>, vector<16xi32>
      %reduce_max3A_948 = arith.constant true
      %reduce_max3A_949 = vector.broadcast %reduce_max3A_948 : i1 to vector<16xi1>
      %reduce_max3A_950 = arith.constant -2147483648 : i32
      %reduce_max3A_951 = vector.broadcast %reduce_max3A_950 : i32 to vector<16xi32>
      %reduce_max3A_952 = arith.xori %select_n3A_947, %reduce_max3A_951 : vector<16xi32>
      %reduce_max3A_953 = tpu.scan <max>, %reduce_max3A_952 masked %reduce_max3A_949 : vector<16xi32>, vector<16xi1> -> vector<16xi32>
      %reduce_max3A_954 = arith.xori %reduce_max3A_953, %reduce_max3A_951 : vector<16xi32>
      %reduce_max3A_955 = vector.extract %reduce_max3A_954[15] : i32 from vector<16xi32>
      %jit3A_956 = arith.constant 0 : i32
      %broadcast_in_dim3A_957 = vector.broadcast %jit3A_956 : i32 to vector<16xi32>
      %select_n3A_958 = arith.select %eq3A_944, %sub3A_807, %broadcast_in_dim3A_957 : vector<16xi1>, vector<16xi32>
      %reduce_max3A_959 = arith.constant true
      %reduce_max3A_960 = vector.broadcast %reduce_max3A_959 : i1 to vector<16xi1>
      %reduce_max3A_961 = arith.constant -2147483648 : i32
      %reduce_max3A_962 = vector.broadcast %reduce_max3A_961 : i32 to vector<16xi32>
      %reduce_max3A_963 = arith.xori %select_n3A_958, %reduce_max3A_962 : vector<16xi32>
      %reduce_max3A_964 = tpu.scan <max>, %reduce_max3A_963 masked %reduce_max3A_960 : vector<16xi32>, vector<16xi1> -> vector<16xi32>
      %reduce_max3A_965 = arith.xori %reduce_max3A_964, %reduce_max3A_962 : vector<16xi32>
      %reduce_max3A_966 = vector.extract %reduce_max3A_965[15] : i32 from vector<16xi32>
      %mul3A_967 = arith.constant 16 : i32
      %mul3A_968 = arith.muli %reduce_max3A_966, %mul3A_967 : i32
      %add3A_969 = vector.broadcast %mul3A_968 : i32 to vector<16xi32>
      %add3A_970 = arith.addi %add3A_969, %iota3A : vector<16xi32>
      %jit3A_971 = arith.constant 0 : i32
      %broadcast_in_dim3A_972 = vector.broadcast %jit3A_971 : i32 to vector<16xi32>
      %select_n3A_973 = arith.select %lt3A_941, %add3A_970, %broadcast_in_dim3A_972 : vector<16xi1>, vector<16xi32>
      %mul3A_974 = arith.constant 16 : i32
      %mul3A_975 = arith.muli %reduce_max3A_955, %mul3A_974 : i32
      %get3A_976 = arith.constant 3 : i32
      %get3A_977 = arith.index_cast %get3A_976 : i32 to index
      %get3A_978 = arith.index_cast %mul3A_975 : i32 to index
      %get3A_979 = tpu.vector_load %arg11[%get3A_977, %get3A_978] {strides = array<i32>} : memref<16x2048xf32, #tpu.memory_space<vmem>>, vector<16xf32>,
      tpu.vector_store_idx %arg12[%select_n3A_973], %get3A_979 masked %lt3A_941 {add = true} : memref<16384xf32, #tpu.memory_space<vmem>>[vector<16xi32>], vector<16xf32>, vector<16xi1>
      %broadcast_in_dim3A_980 = arith.constant 4 : i32
      %broadcast_in_dim3A_981 = vector.broadcast %broadcast_in_dim3A_980 : i32 to vector<16xi32>
      %lt3A_982 = arith.constant 16 : i32
      %lt3A_983 = vector.broadcast %lt3A_982 : i32 to vector<16xi32>
      %lt3A_984 = arith.cmpi slt, %broadcast_in_dim3A_981, %lt3A_983 : vector<16xi32>
      %eq3A_985 = arith.constant 4 : i32
      %eq3A_986 = vector.broadcast %eq3A_985 : i32 to vector<16xi32>
      %eq3A_987 = arith.cmpi eq, %iota3A, %eq3A_986 : vector<16xi32>
      %jit3A_988 = arith.constant 0 : i32
      %broadcast_in_dim3A_989 = vector.broadcast %jit3A_988 : i32 to vector<16xi32>
      %select_n3A_990 = arith.select %eq3A_987, %get3A_771, %broadcast_in_dim3A_989 : vector<16xi1>, vector<16xi32>
      %reduce_max3A_991 = arith.constant true
      %reduce_max3A_992 = vector.broadcast %reduce_max3A_991 : i1 to vector<16xi1>
      %reduce_max3A_993 = arith.constant -2147483648 : i32
      %reduce_max3A_994 = vector.broadcast %reduce_max3A_993 : i32 to vector<16xi32>
      %reduce_max3A_995 = arith.xori %select_n3A_990, %reduce_max3A_994 : vector<16xi32>
      %reduce_max3A_996 = tpu.scan <max>, %reduce_max3A_995 masked %reduce_max3A_992 : vector<16xi32>, vector<16xi1> -> vector<16xi32>
      %reduce_max3A_997 = arith.xori %reduce_max3A_996, %reduce_max3A_994 : vector<16xi32>
      %reduce_max3A_998 = vector.extract %reduce_max3A_997[15] : i32 from vector<16xi32>
      %jit3A_999 = arith.constant 0 : i32
      %broadcast_in_dim3A_1000 = vector.broadcast %jit3A_999 : i32 to vector<16xi32>
      %select_n3A_1001 = arith.select %eq3A_987, %sub3A_807, %broadcast_in_dim3A_1000 : vector<16xi1>, vector<16xi32>
      %reduce_max3A_1002 = arith.constant true
      %reduce_max3A_1003 = vector.broadcast %reduce_max3A_1002 : i1 to vector<16xi1>
      %reduce_max3A_1004 = arith.constant -2147483648 : i32
      %reduce_max3A_1005 = vector.broadcast %reduce_max3A_1004 : i32 to vector<16xi32>
      %reduce_max3A_1006 = arith.xori %select_n3A_1001, %reduce_max3A_1005 : vector<16xi32>
      %reduce_max3A_1007 = tpu.scan <max>, %reduce_max3A_1006 masked %reduce_max3A_1003 : vector<16xi32>, vector<16xi1> -> vector<16xi32>
      %reduce_max3A_1008 = arith.xori %reduce_max3A_1007, %reduce_max3A_1005 : vector<16xi32>
      %reduce_max3A_1009 = vector.extract %reduce_max3A_1008[15] : i32 from vector<16xi32>
      %mul3A_1010 = arith.constant 16 : i32
      %mul3A_1011 = arith.muli %reduce_max3A_1009, %mul3A_1010 : i32
      %add3A_1012 = vector.broadcast %mul3A_1011 : i32 to vector<16xi32>
      %add3A_1013 = arith.addi %add3A_1012, %iota3A : vector<16xi32>
      %jit3A_1014 = arith.constant 0 : i32
      %broadcast_in_dim3A_1015 = vector.broadcast %jit3A_1014 : i32 to vector<16xi32>
      %select_n3A_1016 = arith.select %lt3A_984, %add3A_1013, %broadcast_in_dim3A_1015 : vector<16xi1>, vector<16xi32>
      %mul3A_1017 = arith.constant 16 : i32
      %mul3A_1018 = arith.muli %reduce_max3A_998, %mul3A_1017 : i32
      %get3A_1019 = arith.constant 4 : i32
      %get3A_1020 = arith.index_cast %get3A_1019 : i32 to index
      %get3A_1021 = arith.index_cast %mul3A_1018 : i32 to index
      %get3A_1022 = tpu.vector_load %arg11[%get3A_1020, %get3A_1021] {strides = array<i32>} : memref<16x2048xf32, #tpu.memory_space<vmem>>, vector<16xf32>,
      tpu.vector_store_idx %arg12[%select_n3A_1016], %get3A_1022 masked %lt3A_984 {add = true} : memref<16384xf32, #tpu.memory_space<vmem>>[vector<16xi32>], vector<16xf32>, vector<16xi1>
      %broadcast_in_dim3A_1023 = arith.constant 5 : i32
      %broadcast_in_dim3A_1024 = vector.broadcast %broadcast_in_dim3A_1023 : i32 to vector<16xi32>
      %lt3A_1025 = arith.constant 16 : i32
      %lt3A_1026 = vector.broadcast %lt3A_1025 : i32 to vector<16xi32>
      %lt3A_1027 = arith.cmpi slt, %broadcast_in_dim3A_1024, %lt3A_1026 : vector<16xi32>
      %eq3A_1028 = arith.constant 5 : i32
      %eq3A_1029 = vector.broadcast %eq3A_1028 : i32 to vector<16xi32>
      %eq3A_1030 = arith.cmpi eq, %iota3A, %eq3A_1029 : vector<16xi32>
      %jit3A_1031 = arith.constant 0 : i32
      %broadcast_in_dim3A_1032 = vector.broadcast %jit3A_1031 : i32 to vector<16xi32>
      %select_n3A_1033 = arith.select %eq3A_1030, %get3A_771, %broadcast_in_dim3A_1032 : vector<16xi1>, vector<16xi32>
      %reduce_max3A_1034 = arith.constant true
      %reduce_max3A_1035 = vector.broadcast %reduce_max3A_1034 : i1 to vector<16xi1>
      %reduce_max3A_1036 = arith.constant -2147483648 : i32
      %reduce_max3A_1037 = vector.broadcast %reduce_max3A_1036 : i32 to vector<16xi32>
      %reduce_max3A_1038 = arith.xori %select_n3A_1033, %reduce_max3A_1037 : vector<16xi32>
      %reduce_max3A_1039 = tpu.scan <max>, %reduce_max3A_1038 masked %reduce_max3A_1035 : vector<16xi32>, vector<16xi1> -> vector<16xi32>
      %reduce_max3A_1040 = arith.xori %reduce_max3A_1039, %reduce_max3A_1037 : vector<16xi32>
      %reduce_max3A_1041 = vector.extract %reduce_max3A_1040[15] : i32 from vector<16xi32>
      %jit3A_1042 = arith.constant 0 : i32
      %broadcast_in_dim3A_1043 = vector.broadcast %jit3A_1042 : i32 to vector<16xi32>
      %select_n3A_1044 = arith.select %eq3A_1030, %sub3A_807, %broadcast_in_dim3A_1043 : vector<16xi1>, vector<16xi32>
      %reduce_max3A_1045 = arith.constant true
      %reduce_max3A_1046 = vector.broadcast %reduce_max3A_1045 : i1 to vector<16xi1>
      %reduce_max3A_1047 = arith.constant -2147483648 : i32
      %reduce_max3A_1048 = vector.broadcast %reduce_max3A_1047 : i32 to vector<16xi32>
      %reduce_max3A_1049 = arith.xori %select_n3A_1044, %reduce_max3A_1048 : vector<16xi32>
      %reduce_max3A_1050 = tpu.scan <max>, %reduce_max3A_1049 masked %reduce_max3A_1046 : vector<16xi32>, vector<16xi1> -> vector<16xi32>
      %reduce_max3A_1051 = arith.xori %reduce_max3A_1050, %reduce_max3A_1048 : vector<16xi32>
      %reduce_max3A_1052 = vector.extract %reduce_max3A_1051[15] : i32 from vector<16xi32>
      %mul3A_1053 = arith.constant 16 : i32
      %mul3A_1054 = arith.muli %reduce_max3A_1052, %mul3A_1053 : i32
      %add3A_1055 = vector.broadcast %mul3A_1054 : i32 to vector<16xi32>
      %add3A_1056 = arith.addi %add3A_1055, %iota3A : vector<16xi32>
      %jit3A_1057 = arith.constant 0 : i32
      %broadcast_in_dim3A_1058 = vector.broadcast %jit3A_1057 : i32 to vector<16xi32>
      %select_n3A_1059 = arith.select %lt3A_1027, %add3A_1056, %broadcast_in_dim3A_1058 : vector<16xi1>, vector<16xi32>
      %mul3A_1060 = arith.constant 16 : i32
      %mul3A_1061 = arith.muli %reduce_max3A_1041, %mul3A_1060 : i32
      %get3A_1062 = arith.constant 5 : i32
      %get3A_1063 = arith.index_cast %get3A_1062 : i32 to index
      %get3A_1064 = arith.index_cast %mul3A_1061 : i32 to index
      %get3A_1065 = tpu.vector_load %arg11[%get3A_1063, %get3A_1064] {strides = array<i32>} : memref<16x2048xf32, #tpu.memory_space<vmem>>, vector<16xf32>,
      tpu.vector_store_idx %arg12[%select_n3A_1059], %get3A_1065 masked %lt3A_1027 {add = true} : memref<16384xf32, #tpu.memory_space<vmem>>[vector<16xi32>], vector<16xf32>, vector<16xi1>
      %broadcast_in_dim3A_1066 = arith.constant 6 : i32
      %broadcast_in_dim3A_1067 = vector.broadcast %broadcast_in_dim3A_1066 : i32 to vector<16xi32>
      %lt3A_1068 = arith.constant 16 : i32
      %lt3A_1069 = vector.broadcast %lt3A_1068 : i32 to vector<16xi32>
      %lt3A_1070 = arith.cmpi slt, %broadcast_in_dim3A_1067, %lt3A_1069 : vector<16xi32>
      %eq3A_1071 = arith.constant 6 : i32
      %eq3A_1072 = vector.broadcast %eq3A_1071 : i32 to vector<16xi32>
      %eq3A_1073 = arith.cmpi eq, %iota3A, %eq3A_1072 : vector<16xi32>
      %jit3A_1074 = arith.constant 0 : i32
      %broadcast_in_dim3A_1075 = vector.broadcast %jit3A_1074 : i32 to vector<16xi32>
      %select_n3A_1076 = arith.select %eq3A_1073, %get3A_771, %broadcast_in_dim3A_1075 : vector<16xi1>, vector<16xi32>
      %reduce_max3A_1077 = arith.constant true
      %reduce_max3A_1078 = vector.broadcast %reduce_max3A_1077 : i1 to vector<16xi1>
      %reduce_max3A_1079 = arith.constant -2147483648 : i32
      %reduce_max3A_1080 = vector.broadcast %reduce_max3A_1079 : i32 to vector<16xi32>
      %reduce_max3A_1081 = arith.xori %select_n3A_1076, %reduce_max3A_1080 : vector<16xi32>
      %reduce_max3A_1082 = tpu.scan <max>, %reduce_max3A_1081 masked %reduce_max3A_1078 : vector<16xi32>, vector<16xi1> -> vector<16xi32>
      %reduce_max3A_1083 = arith.xori %reduce_max3A_1082, %reduce_max3A_1080 : vector<16xi32>
      %reduce_max3A_1084 = vector.extract %reduce_max3A_1083[15] : i32 from vector<16xi32>
      %jit3A_1085 = arith.constant 0 : i32
      %broadcast_in_dim3A_1086 = vector.broadcast %jit3A_1085 : i32 to vector<16xi32>
      %select_n3A_1087 = arith.select %eq3A_1073, %sub3A_807, %broadcast_in_dim3A_1086 : vector<16xi1>, vector<16xi32>
      %reduce_max3A_1088 = arith.constant true
      %reduce_max3A_1089 = vector.broadcast %reduce_max3A_1088 : i1 to vector<16xi1>
      %reduce_max3A_1090 = arith.constant -2147483648 : i32
      %reduce_max3A_1091 = vector.broadcast %reduce_max3A_1090 : i32 to vector<16xi32>
      %reduce_max3A_1092 = arith.xori %select_n3A_1087, %reduce_max3A_1091 : vector<16xi32>
      %reduce_max3A_1093 = tpu.scan <max>, %reduce_max3A_1092 masked %reduce_max3A_1089 : vector<16xi32>, vector<16xi1> -> vector<16xi32>
      %reduce_max3A_1094 = arith.xori %reduce_max3A_1093, %reduce_max3A_1091 : vector<16xi32>
      %reduce_max3A_1095 = vector.extract %reduce_max3A_1094[15] : i32 from vector<16xi32>
      %mul3A_1096 = arith.constant 16 : i32
      %mul3A_1097 = arith.muli %reduce_max3A_1095, %mul3A_1096 : i32
      %add3A_1098 = vector.broadcast %mul3A_1097 : i32 to vector<16xi32>
      %add3A_1099 = arith.addi %add3A_1098, %iota3A : vector<16xi32>
      %jit3A_1100 = arith.constant 0 : i32
      %broadcast_in_dim3A_1101 = vector.broadcast %jit3A_1100 : i32 to vector<16xi32>
      %select_n3A_1102 = arith.select %lt3A_1070, %add3A_1099, %broadcast_in_dim3A_1101 : vector<16xi1>, vector<16xi32>
      %mul3A_1103 = arith.constant 16 : i32
      %mul3A_1104 = arith.muli %reduce_max3A_1084, %mul3A_1103 : i32
      %get3A_1105 = arith.constant 6 : i32
      %get3A_1106 = arith.index_cast %get3A_1105 : i32 to index
      %get3A_1107 = arith.index_cast %mul3A_1104 : i32 to index
      %get3A_1108 = tpu.vector_load %arg11[%get3A_1106, %get3A_1107] {strides = array<i32>} : memref<16x2048xf32, #tpu.memory_space<vmem>>, vector<16xf32>,
      tpu.vector_store_idx %arg12[%select_n3A_1102], %get3A_1108 masked %lt3A_1070 {add = true} : memref<16384xf32, #tpu.memory_space<vmem>>[vector<16xi32>], vector<16xf32>, vector<16xi1>
      %broadcast_in_dim3A_1109 = arith.constant 7 : i32
      %broadcast_in_dim3A_1110 = vector.broadcast %broadcast_in_dim3A_1109 : i32 to vector<16xi32>
      %lt3A_1111 = arith.constant 16 : i32
      %lt3A_1112 = vector.broadcast %lt3A_1111 : i32 to vector<16xi32>
      %lt3A_1113 = arith.cmpi slt, %broadcast_in_dim3A_1110, %lt3A_1112 : vector<16xi32>
      %eq3A_1114 = arith.constant 7 : i32
      %eq3A_1115 = vector.broadcast %eq3A_1114 : i32 to vector<16xi32>
      %eq3A_1116 = arith.cmpi eq, %iota3A, %eq3A_1115 : vector<16xi32>
      %jit3A_1117 = arith.constant 0 : i32
      %broadcast_in_dim3A_1118 = vector.broadcast %jit3A_1117 : i32 to vector<16xi32>
      %select_n3A_1119 = arith.select %eq3A_1116, %get3A_771, %broadcast_in_dim3A_1118 : vector<16xi1>, vector<16xi32>
      %reduce_max3A_1120 = arith.constant true
      %reduce_max3A_1121 = vector.broadcast %reduce_max3A_1120 : i1 to vector<16xi1>
      %reduce_max3A_1122 = arith.constant -2147483648 : i32
      %reduce_max3A_1123 = vector.broadcast %reduce_max3A_1122 : i32 to vector<16xi32>
      %reduce_max3A_1124 = arith.xori %select_n3A_1119, %reduce_max3A_1123 : vector<16xi32>
      %reduce_max3A_1125 = tpu.scan <max>, %reduce_max3A_1124 masked %reduce_max3A_1121 : vector<16xi32>, vector<16xi1> -> vector<16xi32>
      %reduce_max3A_1126 = arith.xori %reduce_max3A_1125, %reduce_max3A_1123 : vector<16xi32>
      %reduce_max3A_1127 = vector.extract %reduce_max3A_1126[15] : i32 from vector<16xi32>
      %jit3A_1128 = arith.constant 0 : i32
      %broadcast_in_dim3A_1129 = vector.broadcast %jit3A_1128 : i32 to vector<16xi32>
      %select_n3A_1130 = arith.select %eq3A_1116, %sub3A_807, %broadcast_in_dim3A_1129 : vector<16xi1>, vector<16xi32>
      %reduce_max3A_1131 = arith.constant true
      %reduce_max3A_1132 = vector.broadcast %reduce_max3A_1131 : i1 to vector<16xi1>
      %reduce_max3A_1133 = arith.constant -2147483648 : i32
      %reduce_max3A_1134 = vector.broadcast %reduce_max3A_1133 : i32 to vector<16xi32>
      %reduce_max3A_1135 = arith.xori %select_n3A_1130, %reduce_max3A_1134 : vector<16xi32>
      %reduce_max3A_1136 = tpu.scan <max>, %reduce_max3A_1135 masked %reduce_max3A_1132 : vector<16xi32>, vector<16xi1> -> vector<16xi32>
      %reduce_max3A_1137 = arith.xori %reduce_max3A_1136, %reduce_max3A_1134 : vector<16xi32>
      %reduce_max3A_1138 = vector.extract %reduce_max3A_1137[15] : i32 from vector<16xi32>
      %mul3A_1139 = arith.constant 16 : i32
      %mul3A_1140 = arith.muli %reduce_max3A_1138, %mul3A_1139 : i32
      %add3A_1141 = vector.broadcast %mul3A_1140 : i32 to vector<16xi32>
      %add3A_1142 = arith.addi %add3A_1141, %iota3A : vector<16xi32>
      %jit3A_1143 = arith.constant 0 : i32
      %broadcast_in_dim3A_1144 = vector.broadcast %jit3A_1143 : i32 to vector<16xi32>
      %select_n3A_1145 = arith.select %lt3A_1113, %add3A_1142, %broadcast_in_dim3A_1144 : vector<16xi1>, vector<16xi32>
      %mul3A_1146 = arith.constant 16 : i32
      %mul3A_1147 = arith.muli %reduce_max3A_1127, %mul3A_1146 : i32
      %get3A_1148 = arith.constant 7 : i32
      %get3A_1149 = arith.index_cast %get3A_1148 : i32 to index
      %get3A_1150 = arith.index_cast %mul3A_1147 : i32 to index
      %get3A_1151 = tpu.vector_load %arg11[%get3A_1149, %get3A_1150] {strides = array<i32>} : memref<16x2048xf32, #tpu.memory_space<vmem>>, vector<16xf32>,
      tpu.vector_store_idx %arg12[%select_n3A_1145], %get3A_1151 masked %lt3A_1113 {add = true} : memref<16384xf32, #tpu.memory_space<vmem>>[vector<16xi32>], vector<16xf32>, vector<16xi1>
      %broadcast_in_dim3A_1152 = arith.constant 8 : i32
      %broadcast_in_dim3A_1153 = vector.broadcast %broadcast_in_dim3A_1152 : i32 to vector<16xi32>
      %lt3A_1154 = arith.constant 16 : i32
      %lt3A_1155 = vector.broadcast %lt3A_1154 : i32 to vector<16xi32>
      %lt3A_1156 = arith.cmpi slt, %broadcast_in_dim3A_1153, %lt3A_1155 : vector<16xi32>
      %eq3A_1157 = arith.constant 8 : i32
      %eq3A_1158 = vector.broadcast %eq3A_1157 : i32 to vector<16xi32>
      %eq3A_1159 = arith.cmpi eq, %iota3A, %eq3A_1158 : vector<16xi32>
      %jit3A_1160 = arith.constant 0 : i32
      %broadcast_in_dim3A_1161 = vector.broadcast %jit3A_1160 : i32 to vector<16xi32>
      %select_n3A_1162 = arith.select %eq3A_1159, %get3A_771, %broadcast_in_dim3A_1161 : vector<16xi1>, vector<16xi32>
      %reduce_max3A_1163 = arith.constant true
      %reduce_max3A_1164 = vector.broadcast %reduce_max3A_1163 : i1 to vector<16xi1>
      %reduce_max3A_1165 = arith.constant -2147483648 : i32
      %reduce_max3A_1166 = vector.broadcast %reduce_max3A_1165 : i32 to vector<16xi32>
      %reduce_max3A_1167 = arith.xori %select_n3A_1162, %reduce_max3A_1166 : vector<16xi32>
      %reduce_max3A_1168 = tpu.scan <max>, %reduce_max3A_1167 masked %reduce_max3A_1164 : vector<16xi32>, vector<16xi1> -> vector<16xi32>
      %reduce_max3A_1169 = arith.xori %reduce_max3A_1168, %reduce_max3A_1166 : vector<16xi32>
      %reduce_max3A_1170 = vector.extract %reduce_max3A_1169[15] : i32 from vector<16xi32>
      %jit3A_1171 = arith.constant 0 : i32
      %broadcast_in_dim3A_1172 = vector.broadcast %jit3A_1171 : i32 to vector<16xi32>
      %select_n3A_1173 = arith.select %eq3A_1159, %sub3A_807, %broadcast_in_dim3A_1172 : vector<16xi1>, vector<16xi32>
      %reduce_max3A_1174 = arith.constant true
      %reduce_max3A_1175 = vector.broadcast %reduce_max3A_1174 : i1 to vector<16xi1>
      %reduce_max3A_1176 = arith.constant -2147483648 : i32
      %reduce_max3A_1177 = vector.broadcast %reduce_max3A_1176 : i32 to vector<16xi32>
      %reduce_max3A_1178 = arith.xori %select_n3A_1173, %reduce_max3A_1177 : vector<16xi32>
      %reduce_max3A_1179 = tpu.scan <max>, %reduce_max3A_1178 masked %reduce_max3A_1175 : vector<16xi32>, vector<16xi1> -> vector<16xi32>
      %reduce_max3A_1180 = arith.xori %reduce_max3A_1179, %reduce_max3A_1177 : vector<16xi32>
      %reduce_max3A_1181 = vector.extract %reduce_max3A_1180[15] : i32 from vector<16xi32>
      %mul3A_1182 = arith.constant 16 : i32
      %mul3A_1183 = arith.muli %reduce_max3A_1181, %mul3A_1182 : i32
      %add3A_1184 = vector.broadcast %mul3A_1183 : i32 to vector<16xi32>
      %add3A_1185 = arith.addi %add3A_1184, %iota3A : vector<16xi32>
      %jit3A_1186 = arith.constant 0 : i32
      %broadcast_in_dim3A_1187 = vector.broadcast %jit3A_1186 : i32 to vector<16xi32>
      %select_n3A_1188 = arith.select %lt3A_1156, %add3A_1185, %broadcast_in_dim3A_1187 : vector<16xi1>, vector<16xi32>
      %mul3A_1189 = arith.constant 16 : i32
      %mul3A_1190 = arith.muli %reduce_max3A_1170, %mul3A_1189 : i32
      %get3A_1191 = arith.constant 8 : i32
      %get3A_1192 = arith.index_cast %get3A_1191 : i32 to index
      %get3A_1193 = arith.index_cast %mul3A_1190 : i32 to index
      %get3A_1194 = tpu.vector_load %arg11[%get3A_1192, %get3A_1193] {strides = array<i32>} : memref<16x2048xf32, #tpu.memory_space<vmem>>, vector<16xf32>,
      tpu.vector_store_idx %arg12[%select_n3A_1188], %get3A_1194 masked %lt3A_1156 {add = true} : memref<16384xf32, #tpu.memory_space<vmem>>[vector<16xi32>], vector<16xf32>, vector<16xi1>
      %broadcast_in_dim3A_1195 = arith.constant 9 : i32
      %broadcast_in_dim3A_1196 = vector.broadcast %broadcast_in_dim3A_1195 : i32 to vector<16xi32>
      %lt3A_1197 = arith.constant 16 : i32
      %lt3A_1198 = vector.broadcast %lt3A_1197 : i32 to vector<16xi32>
      %lt3A_1199 = arith.cmpi slt, %broadcast_in_dim3A_1196, %lt3A_1198 : vector<16xi32>
      %eq3A_1200 = arith.constant 9 : i32
      %eq3A_1201 = vector.broadcast %eq3A_1200 : i32 to vector<16xi32>
      %eq3A_1202 = arith.cmpi eq, %iota3A, %eq3A_1201 : vector<16xi32>
      %jit3A_1203 = arith.constant 0 : i32
      %broadcast_in_dim3A_1204 = vector.broadcast %jit3A_1203 : i32 to vector<16xi32>
      %select_n3A_1205 = arith.select %eq3A_1202, %get3A_771, %broadcast_in_dim3A_1204 : vector<16xi1>, vector<16xi32>
      %reduce_max3A_1206 = arith.constant true
      %reduce_max3A_1207 = vector.broadcast %reduce_max3A_1206 : i1 to vector<16xi1>
      %reduce_max3A_1208 = arith.constant -2147483648 : i32
      %reduce_max3A_1209 = vector.broadcast %reduce_max3A_1208 : i32 to vector<16xi32>
      %reduce_max3A_1210 = arith.xori %select_n3A_1205, %reduce_max3A_1209 : vector<16xi32>
      %reduce_max3A_1211 = tpu.scan <max>, %reduce_max3A_1210 masked %reduce_max3A_1207 : vector<16xi32>, vector<16xi1> -> vector<16xi32>
      %reduce_max3A_1212 = arith.xori %reduce_max3A_1211, %reduce_max3A_1209 : vector<16xi32>
      %reduce_max3A_1213 = vector.extract %reduce_max3A_1212[15] : i32 from vector<16xi32>
      %jit3A_1214 = arith.constant 0 : i32
      %broadcast_in_dim3A_1215 = vector.broadcast %jit3A_1214 : i32 to vector<16xi32>
      %select_n3A_1216 = arith.select %eq3A_1202, %sub3A_807, %broadcast_in_dim3A_1215 : vector<16xi1>, vector<16xi32>
      %reduce_max3A_1217 = arith.constant true
      %reduce_max3A_1218 = vector.broadcast %reduce_max3A_1217 : i1 to vector<16xi1>
      %reduce_max3A_1219 = arith.constant -2147483648 : i32
      %reduce_max3A_1220 = vector.broadcast %reduce_max3A_1219 : i32 to vector<16xi32>
      %reduce_max3A_1221 = arith.xori %select_n3A_1216, %reduce_max3A_1220 : vector<16xi32>
      %reduce_max3A_1222 = tpu.scan <max>, %reduce_max3A_1221 masked %reduce_max3A_1218 : vector<16xi32>, vector<16xi1> -> vector<16xi32>
      %reduce_max3A_1223 = arith.xori %reduce_max3A_1222, %reduce_max3A_1220 : vector<16xi32>
      %reduce_max3A_1224 = vector.extract %reduce_max3A_1223[15] : i32 from vector<16xi32>
      %mul3A_1225 = arith.constant 16 : i32
      %mul3A_1226 = arith.muli %reduce_max3A_1224, %mul3A_1225 : i32
      %add3A_1227 = vector.broadcast %mul3A_1226 : i32 to vector<16xi32>
      %add3A_1228 = arith.addi %add3A_1227, %iota3A : vector<16xi32>
      %jit3A_1229 = arith.constant 0 : i32
      %broadcast_in_dim3A_1230 = vector.broadcast %jit3A_1229 : i32 to vector<16xi32>
      %select_n3A_1231 = arith.select %lt3A_1199, %add3A_1228, %broadcast_in_dim3A_1230 : vector<16xi1>, vector<16xi32>
      %mul3A_1232 = arith.constant 16 : i32
      %mul3A_1233 = arith.muli %reduce_max3A_1213, %mul3A_1232 : i32
      %get3A_1234 = arith.constant 9 : i32
      %get3A_1235 = arith.index_cast %get3A_1234 : i32 to index
      %get3A_1236 = arith.index_cast %mul3A_1233 : i32 to index
      %get3A_1237 = tpu.vector_load %arg11[%get3A_1235, %get3A_1236] {strides = array<i32>} : memref<16x2048xf32, #tpu.memory_space<vmem>>, vector<16xf32>,
      tpu.vector_store_idx %arg12[%select_n3A_1231], %get3A_1237 masked %lt3A_1199 {add = true} : memref<16384xf32, #tpu.memory_space<vmem>>[vector<16xi32>], vector<16xf32>, vector<16xi1>
      %broadcast_in_dim3A_1238 = arith.constant 10 : i32
      %broadcast_in_dim3A_1239 = vector.broadcast %broadcast_in_dim3A_1238 : i32 to vector<16xi32>
      %lt3A_1240 = arith.constant 16 : i32
      %lt3A_1241 = vector.broadcast %lt3A_1240 : i32 to vector<16xi32>
      %lt3A_1242 = arith.cmpi slt, %broadcast_in_dim3A_1239, %lt3A_1241 : vector<16xi32>
      %eq3A_1243 = arith.constant 10 : i32
      %eq3A_1244 = vector.broadcast %eq3A_1243 : i32 to vector<16xi32>
      %eq3A_1245 = arith.cmpi eq, %iota3A, %eq3A_1244 : vector<16xi32>
      %jit3A_1246 = arith.constant 0 : i32
      %broadcast_in_dim3A_1247 = vector.broadcast %jit3A_1246 : i32 to vector<16xi32>
      %select_n3A_1248 = arith.select %eq3A_1245, %get3A_771, %broadcast_in_dim3A_1247 : vector<16xi1>, vector<16xi32>
      %reduce_max3A_1249 = arith.constant true
      %reduce_max3A_1250 = vector.broadcast %reduce_max3A_1249 : i1 to vector<16xi1>
      %reduce_max3A_1251 = arith.constant -2147483648 : i32
      %reduce_max3A_1252 = vector.broadcast %reduce_max3A_1251 : i32 to vector<16xi32>
      %reduce_max3A_1253 = arith.xori %select_n3A_1248, %reduce_max3A_1252 : vector<16xi32>
      %reduce_max3A_1254 = tpu.scan <max>, %reduce_max3A_1253 masked %reduce_max3A_1250 : vector<16xi32>, vector<16xi1> -> vector<16xi32>
      %reduce_max3A_1255 = arith.xori %reduce_max3A_1254, %reduce_max3A_1252 : vector<16xi32>
      %reduce_max3A_1256 = vector.extract %reduce_max3A_1255[15] : i32 from vector<16xi32>
      %jit3A_1257 = arith.constant 0 : i32
      %broadcast_in_dim3A_1258 = vector.broadcast %jit3A_1257 : i32 to vector<16xi32>
      %select_n3A_1259 = arith.select %eq3A_1245, %sub3A_807, %broadcast_in_dim3A_1258 : vector<16xi1>, vector<16xi32>
      %reduce_max3A_1260 = arith.constant true
      %reduce_max3A_1261 = vector.broadcast %reduce_max3A_1260 : i1 to vector<16xi1>
      %reduce_max3A_1262 = arith.constant -2147483648 : i32
      %reduce_max3A_1263 = vector.broadcast %reduce_max3A_1262 : i32 to vector<16xi32>
      %reduce_max3A_1264 = arith.xori %select_n3A_1259, %reduce_max3A_1263 : vector<16xi32>
      %reduce_max3A_1265 = tpu.scan <max>, %reduce_max3A_1264 masked %reduce_max3A_1261 : vector<16xi32>, vector<16xi1> -> vector<16xi32>
      %reduce_max3A_1266 = arith.xori %reduce_max3A_1265, %reduce_max3A_1263 : vector<16xi32>
      %reduce_max3A_1267 = vector.extract %reduce_max3A_1266[15] : i32 from vector<16xi32>
      %mul3A_1268 = arith.constant 16 : i32
      %mul3A_1269 = arith.muli %reduce_max3A_1267, %mul3A_1268 : i32
      %add3A_1270 = vector.broadcast %mul3A_1269 : i32 to vector<16xi32>
      %add3A_1271 = arith.addi %add3A_1270, %iota3A : vector<16xi32>
      %jit3A_1272 = arith.constant 0 : i32
      %broadcast_in_dim3A_1273 = vector.broadcast %jit3A_1272 : i32 to vector<16xi32>
      %select_n3A_1274 = arith.select %lt3A_1242, %add3A_1271, %broadcast_in_dim3A_1273 : vector<16xi1>, vector<16xi32>
      %mul3A_1275 = arith.constant 16 : i32
      %mul3A_1276 = arith.muli %reduce_max3A_1256, %mul3A_1275 : i32
      %get3A_1277 = arith.constant 10 : i32
      %get3A_1278 = arith.index_cast %get3A_1277 : i32 to index
      %get3A_1279 = arith.index_cast %mul3A_1276 : i32 to index
      %get3A_1280 = tpu.vector_load %arg11[%get3A_1278, %get3A_1279] {strides = array<i32>} : memref<16x2048xf32, #tpu.memory_space<vmem>>, vector<16xf32>,
      tpu.vector_store_idx %arg12[%select_n3A_1274], %get3A_1280 masked %lt3A_1242 {add = true} : memref<16384xf32, #tpu.memory_space<vmem>>[vector<16xi32>], vector<16xf32>, vector<16xi1>
      %broadcast_in_dim3A_1281 = arith.constant 11 : i32
      %broadcast_in_dim3A_1282 = vector.broadcast %broadcast_in_dim3A_1281 : i32 to vector<16xi32>
      %lt3A_1283 = arith.constant 16 : i32
      %lt3A_1284 = vector.broadcast %lt3A_1283 : i32 to vector<16xi32>
      %lt3A_1285 = arith.cmpi slt, %broadcast_in_dim3A_1282, %lt3A_1284 : vector<16xi32>
      %eq3A_1286 = arith.constant 11 : i32
      %eq3A_1287 = vector.broadcast %eq3A_1286 : i32 to vector<16xi32>
      %eq3A_1288 = arith.cmpi eq, %iota3A, %eq3A_1287 : vector<16xi32>
      %jit3A_1289 = arith.constant 0 : i32
      %broadcast_in_dim3A_1290 = vector.broadcast %jit3A_1289 : i32 to vector<16xi32>
      %select_n3A_1291 = arith.select %eq3A_1288, %get3A_771, %broadcast_in_dim3A_1290 : vector<16xi1>, vector<16xi32>
      %reduce_max3A_1292 = arith.constant true
      %reduce_max3A_1293 = vector.broadcast %reduce_max3A_1292 : i1 to vector<16xi1>
      %reduce_max3A_1294 = arith.constant -2147483648 : i32
      %reduce_max3A_1295 = vector.broadcast %reduce_max3A_1294 : i32 to vector<16xi32>
      %reduce_max3A_1296 = arith.xori %select_n3A_1291, %reduce_max3A_1295 : vector<16xi32>
      %reduce_max3A_1297 = tpu.scan <max>, %reduce_max3A_1296 masked %reduce_max3A_1293 : vector<16xi32>, vector<16xi1> -> vector<16xi32>
      %reduce_max3A_1298 = arith.xori %reduce_max3A_1297, %reduce_max3A_1295 : vector<16xi32>
      %reduce_max3A_1299 = vector.extract %reduce_max3A_1298[15] : i32 from vector<16xi32>
      %jit3A_1300 = arith.constant 0 : i32
      %broadcast_in_dim3A_1301 = vector.broadcast %jit3A_1300 : i32 to vector<16xi32>
      %select_n3A_1302 = arith.select %eq3A_1288, %sub3A_807, %broadcast_in_dim3A_1301 : vector<16xi1>, vector<16xi32>
      %reduce_max3A_1303 = arith.constant true
      %reduce_max3A_1304 = vector.broadcast %reduce_max3A_1303 : i1 to vector<16xi1>
      %reduce_max3A_1305 = arith.constant -2147483648 : i32
      %reduce_max3A_1306 = vector.broadcast %reduce_max3A_1305 : i32 to vector<16xi32>
      %reduce_max3A_1307 = arith.xori %select_n3A_1302, %reduce_max3A_1306 : vector<16xi32>
      %reduce_max3A_1308 = tpu.scan <max>, %reduce_max3A_1307 masked %reduce_max3A_1304 : vector<16xi32>, vector<16xi1> -> vector<16xi32>
      %reduce_max3A_1309 = arith.xori %reduce_max3A_1308, %reduce_max3A_1306 : vector<16xi32>
      %reduce_max3A_1310 = vector.extract %reduce_max3A_1309[15] : i32 from vector<16xi32>
      %mul3A_1311 = arith.constant 16 : i32
      %mul3A_1312 = arith.muli %reduce_max3A_1310, %mul3A_1311 : i32
      %add3A_1313 = vector.broadcast %mul3A_1312 : i32 to vector<16xi32>
      %add3A_1314 = arith.addi %add3A_1313, %iota3A : vector<16xi32>
      %jit3A_1315 = arith.constant 0 : i32
      %broadcast_in_dim3A_1316 = vector.broadcast %jit3A_1315 : i32 to vector<16xi32>
      %select_n3A_1317 = arith.select %lt3A_1285, %add3A_1314, %broadcast_in_dim3A_1316 : vector<16xi1>, vector<16xi32>
      %mul3A_1318 = arith.constant 16 : i32
      %mul3A_1319 = arith.muli %reduce_max3A_1299, %mul3A_1318 : i32
      %get3A_1320 = arith.constant 11 : i32
      %get3A_1321 = arith.index_cast %get3A_1320 : i32 to index
      %get3A_1322 = arith.index_cast %mul3A_1319 : i32 to index
      %get3A_1323 = tpu.vector_load %arg11[%get3A_1321, %get3A_1322] {strides = array<i32>} : memref<16x2048xf32, #tpu.memory_space<vmem>>, vector<16xf32>,
      tpu.vector_store_idx %arg12[%select_n3A_1317], %get3A_1323 masked %lt3A_1285 {add = true} : memref<16384xf32, #tpu.memory_space<vmem>>[vector<16xi32>], vector<16xf32>, vector<16xi1>
      %broadcast_in_dim3A_1324 = arith.constant 12 : i32
      %broadcast_in_dim3A_1325 = vector.broadcast %broadcast_in_dim3A_1324 : i32 to vector<16xi32>
      %lt3A_1326 = arith.constant 16 : i32
      %lt3A_1327 = vector.broadcast %lt3A_1326 : i32 to vector<16xi32>
      %lt3A_1328 = arith.cmpi slt, %broadcast_in_dim3A_1325, %lt3A_1327 : vector<16xi32>
      %eq3A_1329 = arith.constant 12 : i32
      %eq3A_1330 = vector.broadcast %eq3A_1329 : i32 to vector<16xi32>
      %eq3A_1331 = arith.cmpi eq, %iota3A, %eq3A_1330 : vector<16xi32>
      %jit3A_1332 = arith.constant 0 : i32
      %broadcast_in_dim3A_1333 = vector.broadcast %jit3A_1332 : i32 to vector<16xi32>
      %select_n3A_1334 = arith.select %eq3A_1331, %get3A_771, %broadcast_in_dim3A_1333 : vector<16xi1>, vector<16xi32>
      %reduce_max3A_1335 = arith.constant true
      %reduce_max3A_1336 = vector.broadcast %reduce_max3A_1335 : i1 to vector<16xi1>
      %reduce_max3A_1337 = arith.constant -2147483648 : i32
      %reduce_max3A_1338 = vector.broadcast %reduce_max3A_1337 : i32 to vector<16xi32>
      %reduce_max3A_1339 = arith.xori %select_n3A_1334, %reduce_max3A_1338 : vector<16xi32>
      %reduce_max3A_1340 = tpu.scan <max>, %reduce_max3A_1339 masked %reduce_max3A_1336 : vector<16xi32>, vector<16xi1> -> vector<16xi32>
      %reduce_max3A_1341 = arith.xori %reduce_max3A_1340, %reduce_max3A_1338 : vector<16xi32>
      %reduce_max3A_1342 = vector.extract %reduce_max3A_1341[15] : i32 from vector<16xi32>
      %jit3A_1343 = arith.constant 0 : i32
      %broadcast_in_dim3A_1344 = vector.broadcast %jit3A_1343 : i32 to vector<16xi32>
      %select_n3A_1345 = arith.select %eq3A_1331, %sub3A_807, %broadcast_in_dim3A_1344 : vector<16xi1>, vector<16xi32>
      %reduce_max3A_1346 = arith.constant true
      %reduce_max3A_1347 = vector.broadcast %reduce_max3A_1346 : i1 to vector<16xi1>
      %reduce_max3A_1348 = arith.constant -2147483648 : i32
      %reduce_max3A_1349 = vector.broadcast %reduce_max3A_1348 : i32 to vector<16xi32>
      %reduce_max3A_1350 = arith.xori %select_n3A_1345, %reduce_max3A_1349 : vector<16xi32>
      %reduce_max3A_1351 = tpu.scan <max>, %reduce_max3A_1350 masked %reduce_max3A_1347 : vector<16xi32>, vector<16xi1> -> vector<16xi32>
      %reduce_max3A_1352 = arith.xori %reduce_max3A_1351, %reduce_max3A_1349 : vector<16xi32>
      %reduce_max3A_1353 = vector.extract %reduce_max3A_1352[15] : i32 from vector<16xi32>
      %mul3A_1354 = arith.constant 16 : i32
      %mul3A_1355 = arith.muli %reduce_max3A_1353, %mul3A_1354 : i32
      %add3A_1356 = vector.broadcast %mul3A_1355 : i32 to vector<16xi32>
      %add3A_1357 = arith.addi %add3A_1356, %iota3A : vector<16xi32>
      %jit3A_1358 = arith.constant 0 : i32
      %broadcast_in_dim3A_1359 = vector.broadcast %jit3A_1358 : i32 to vector<16xi32>
      %select_n3A_1360 = arith.select %lt3A_1328, %add3A_1357, %broadcast_in_dim3A_1359 : vector<16xi1>, vector<16xi32>
      %mul3A_1361 = arith.constant 16 : i32
      %mul3A_1362 = arith.muli %reduce_max3A_1342, %mul3A_1361 : i32
      %get3A_1363 = arith.constant 12 : i32
      %get3A_1364 = arith.index_cast %get3A_1363 : i32 to index
      %get3A_1365 = arith.index_cast %mul3A_1362 : i32 to index
      %get3A_1366 = tpu.vector_load %arg11[%get3A_1364, %get3A_1365] {strides = array<i32>} : memref<16x2048xf32, #tpu.memory_space<vmem>>, vector<16xf32>,
      tpu.vector_store_idx %arg12[%select_n3A_1360], %get3A_1366 masked %lt3A_1328 {add = true} : memref<16384xf32, #tpu.memory_space<vmem>>[vector<16xi32>], vector<16xf32>, vector<16xi1>
      %broadcast_in_dim3A_1367 = arith.constant 13 : i32
      %broadcast_in_dim3A_1368 = vector.broadcast %broadcast_in_dim3A_1367 : i32 to vector<16xi32>
      %lt3A_1369 = arith.constant 16 : i32
      %lt3A_1370 = vector.broadcast %lt3A_1369 : i32 to vector<16xi32>
      %lt3A_1371 = arith.cmpi slt, %broadcast_in_dim3A_1368, %lt3A_1370 : vector<16xi32>
      %eq3A_1372 = arith.constant 13 : i32
      %eq3A_1373 = vector.broadcast %eq3A_1372 : i32 to vector<16xi32>
      %eq3A_1374 = arith.cmpi eq, %iota3A, %eq3A_1373 : vector<16xi32>
      %jit3A_1375 = arith.constant 0 : i32
      %broadcast_in_dim3A_1376 = vector.broadcast %jit3A_1375 : i32 to vector<16xi32>
      %select_n3A_1377 = arith.select %eq3A_1374, %get3A_771, %broadcast_in_dim3A_1376 : vector<16xi1>, vector<16xi32>
      %reduce_max3A_1378 = arith.constant true
      %reduce_max3A_1379 = vector.broadcast %reduce_max3A_1378 : i1 to vector<16xi1>
      %reduce_max3A_1380 = arith.constant -2147483648 : i32
      %reduce_max3A_1381 = vector.broadcast %reduce_max3A_1380 : i32 to vector<16xi32>
      %reduce_max3A_1382 = arith.xori %select_n3A_1377, %reduce_max3A_1381 : vector<16xi32>
      %reduce_max3A_1383 = tpu.scan <max>, %reduce_max3A_1382 masked %reduce_max3A_1379 : vector<16xi32>, vector<16xi1> -> vector<16xi32>
      %reduce_max3A_1384 = arith.xori %reduce_max3A_1383, %reduce_max3A_1381 : vector<16xi32>
      %reduce_max3A_1385 = vector.extract %reduce_max3A_1384[15] : i32 from vector<16xi32>
      %jit3A_1386 = arith.constant 0 : i32
      %broadcast_in_dim3A_1387 = vector.broadcast %jit3A_1386 : i32 to vector<16xi32>
      %select_n3A_1388 = arith.select %eq3A_1374, %sub3A_807, %broadcast_in_dim3A_1387 : vector<16xi1>, vector<16xi32>
      %reduce_max3A_1389 = arith.constant true
      %reduce_max3A_1390 = vector.broadcast %reduce_max3A_1389 : i1 to vector<16xi1>
      %reduce_max3A_1391 = arith.constant -2147483648 : i32
      %reduce_max3A_1392 = vector.broadcast %reduce_max3A_1391 : i32 to vector<16xi32>
      %reduce_max3A_1393 = arith.xori %select_n3A_1388, %reduce_max3A_1392 : vector<16xi32>
      %reduce_max3A_1394 = tpu.scan <max>, %reduce_max3A_1393 masked %reduce_max3A_1390 : vector<16xi32>, vector<16xi1> -> vector<16xi32>
      %reduce_max3A_1395 = arith.xori %reduce_max3A_1394, %reduce_max3A_1392 : vector<16xi32>
      %reduce_max3A_1396 = vector.extract %reduce_max3A_1395[15] : i32 from vector<16xi32>
      %mul3A_1397 = arith.constant 16 : i32
      %mul3A_1398 = arith.muli %reduce_max3A_1396, %mul3A_1397 : i32
      %add3A_1399 = vector.broadcast %mul3A_1398 : i32 to vector<16xi32>
      %add3A_1400 = arith.addi %add3A_1399, %iota3A : vector<16xi32>
      %jit3A_1401 = arith.constant 0 : i32
      %broadcast_in_dim3A_1402 = vector.broadcast %jit3A_1401 : i32 to vector<16xi32>
      %select_n3A_1403 = arith.select %lt3A_1371, %add3A_1400, %broadcast_in_dim3A_1402 : vector<16xi1>, vector<16xi32>
      %mul3A_1404 = arith.constant 16 : i32
      %mul3A_1405 = arith.muli %reduce_max3A_1385, %mul3A_1404 : i32
      %get3A_1406 = arith.constant 13 : i32
      %get3A_1407 = arith.index_cast %get3A_1406 : i32 to index
      %get3A_1408 = arith.index_cast %mul3A_1405 : i32 to index
      %get3A_1409 = tpu.vector_load %arg11[%get3A_1407, %get3A_1408] {strides = array<i32>} : memref<16x2048xf32, #tpu.memory_space<vmem>>, vector<16xf32>,
      tpu.vector_store_idx %arg12[%select_n3A_1403], %get3A_1409 masked %lt3A_1371 {add = true} : memref<16384xf32, #tpu.memory_space<vmem>>[vector<16xi32>], vector<16xf32>, vector<16xi1>
      %broadcast_in_dim3A_1410 = arith.constant 14 : i32
      %broadcast_in_dim3A_1411 = vector.broadcast %broadcast_in_dim3A_1410 : i32 to vector<16xi32>
      %lt3A_1412 = arith.constant 16 : i32
      %lt3A_1413 = vector.broadcast %lt3A_1412 : i32 to vector<16xi32>
      %lt3A_1414 = arith.cmpi slt, %broadcast_in_dim3A_1411, %lt3A_1413 : vector<16xi32>
      %eq3A_1415 = arith.constant 14 : i32
      %eq3A_1416 = vector.broadcast %eq3A_1415 : i32 to vector<16xi32>
      %eq3A_1417 = arith.cmpi eq, %iota3A, %eq3A_1416 : vector<16xi32>
      %jit3A_1418 = arith.constant 0 : i32
      %broadcast_in_dim3A_1419 = vector.broadcast %jit3A_1418 : i32 to vector<16xi32>
      %select_n3A_1420 = arith.select %eq3A_1417, %get3A_771, %broadcast_in_dim3A_1419 : vector<16xi1>, vector<16xi32>
      %reduce_max3A_1421 = arith.constant true
      %reduce_max3A_1422 = vector.broadcast %reduce_max3A_1421 : i1 to vector<16xi1>
      %reduce_max3A_1423 = arith.constant -2147483648 : i32
      %reduce_max3A_1424 = vector.broadcast %reduce_max3A_1423 : i32 to vector<16xi32>
      %reduce_max3A_1425 = arith.xori %select_n3A_1420, %reduce_max3A_1424 : vector<16xi32>
      %reduce_max3A_1426 = tpu.scan <max>, %reduce_max3A_1425 masked %reduce_max3A_1422 : vector<16xi32>, vector<16xi1> -> vector<16xi32>
      %reduce_max3A_1427 = arith.xori %reduce_max3A_1426, %reduce_max3A_1424 : vector<16xi32>
      %reduce_max3A_1428 = vector.extract %reduce_max3A_1427[15] : i32 from vector<16xi32>
      %jit3A_1429 = arith.constant 0 : i32
      %broadcast_in_dim3A_1430 = vector.broadcast %jit3A_1429 : i32 to vector<16xi32>
      %select_n3A_1431 = arith.select %eq3A_1417, %sub3A_807, %broadcast_in_dim3A_1430 : vector<16xi1>, vector<16xi32>
      %reduce_max3A_1432 = arith.constant true
      %reduce_max3A_1433 = vector.broadcast %reduce_max3A_1432 : i1 to vector<16xi1>
      %reduce_max3A_1434 = arith.constant -2147483648 : i32
      %reduce_max3A_1435 = vector.broadcast %reduce_max3A_1434 : i32 to vector<16xi32>
      %reduce_max3A_1436 = arith.xori %select_n3A_1431, %reduce_max3A_1435 : vector<16xi32>
      %reduce_max3A_1437 = tpu.scan <max>, %reduce_max3A_1436 masked %reduce_max3A_1433 : vector<16xi32>, vector<16xi1> -> vector<16xi32>
      %reduce_max3A_1438 = arith.xori %reduce_max3A_1437, %reduce_max3A_1435 : vector<16xi32>
      %reduce_max3A_1439 = vector.extract %reduce_max3A_1438[15] : i32 from vector<16xi32>
      %mul3A_1440 = arith.constant 16 : i32
      %mul3A_1441 = arith.muli %reduce_max3A_1439, %mul3A_1440 : i32
      %add3A_1442 = vector.broadcast %mul3A_1441 : i32 to vector<16xi32>
      %add3A_1443 = arith.addi %add3A_1442, %iota3A : vector<16xi32>
      %jit3A_1444 = arith.constant 0 : i32
      %broadcast_in_dim3A_1445 = vector.broadcast %jit3A_1444 : i32 to vector<16xi32>
      %select_n3A_1446 = arith.select %lt3A_1414, %add3A_1443, %broadcast_in_dim3A_1445 : vector<16xi1>, vector<16xi32>
      %mul3A_1447 = arith.constant 16 : i32
      %mul3A_1448 = arith.muli %reduce_max3A_1428, %mul3A_1447 : i32
      %get3A_1449 = arith.constant 14 : i32
      %get3A_1450 = arith.index_cast %get3A_1449 : i32 to index
      %get3A_1451 = arith.index_cast %mul3A_1448 : i32 to index
      %get3A_1452 = tpu.vector_load %arg11[%get3A_1450, %get3A_1451] {strides = array<i32>} : memref<16x2048xf32, #tpu.memory_space<vmem>>, vector<16xf32>,
      tpu.vector_store_idx %arg12[%select_n3A_1446], %get3A_1452 masked %lt3A_1414 {add = true} : memref<16384xf32, #tpu.memory_space<vmem>>[vector<16xi32>], vector<16xf32>, vector<16xi1>
      %broadcast_in_dim3A_1453 = arith.constant 15 : i32
      %broadcast_in_dim3A_1454 = vector.broadcast %broadcast_in_dim3A_1453 : i32 to vector<16xi32>
      %lt3A_1455 = arith.constant 16 : i32
      %lt3A_1456 = vector.broadcast %lt3A_1455 : i32 to vector<16xi32>
      %lt3A_1457 = arith.cmpi slt, %broadcast_in_dim3A_1454, %lt3A_1456 : vector<16xi32>
      %eq3A_1458 = arith.constant 15 : i32
      %eq3A_1459 = vector.broadcast %eq3A_1458 : i32 to vector<16xi32>
      %eq3A_1460 = arith.cmpi eq, %iota3A, %eq3A_1459 : vector<16xi32>
      %jit3A_1461 = arith.constant 0 : i32
      %broadcast_in_dim3A_1462 = vector.broadcast %jit3A_1461 : i32 to vector<16xi32>
      %select_n3A_1463 = arith.select %eq3A_1460, %get3A_771, %broadcast_in_dim3A_1462 : vector<16xi1>, vector<16xi32>
      %reduce_max3A_1464 = arith.constant true
      %reduce_max3A_1465 = vector.broadcast %reduce_max3A_1464 : i1 to vector<16xi1>
      %reduce_max3A_1466 = arith.constant -2147483648 : i32
      %reduce_max3A_1467 = vector.broadcast %reduce_max3A_1466 : i32 to vector<16xi32>
      %reduce_max3A_1468 = arith.xori %select_n3A_1463, %reduce_max3A_1467 : vector<16xi32>
      %reduce_max3A_1469 = tpu.scan <max>, %reduce_max3A_1468 masked %reduce_max3A_1465 : vector<16xi32>, vector<16xi1> -> vector<16xi32>
      %reduce_max3A_1470 = arith.xori %reduce_max3A_1469, %reduce_max3A_1467 : vector<16xi32>
      %reduce_max3A_1471 = vector.extract %reduce_max3A_1470[15] : i32 from vector<16xi32>
      %jit3A_1472 = arith.constant 0 : i32
      %broadcast_in_dim3A_1473 = vector.broadcast %jit3A_1472 : i32 to vector<16xi32>
      %select_n3A_1474 = arith.select %eq3A_1460, %sub3A_807, %broadcast_in_dim3A_1473 : vector<16xi1>, vector<16xi32>
      %reduce_max3A_1475 = arith.constant true
      %reduce_max3A_1476 = vector.broadcast %reduce_max3A_1475 : i1 to vector<16xi1>
      %reduce_max3A_1477 = arith.constant -2147483648 : i32
      %reduce_max3A_1478 = vector.broadcast %reduce_max3A_1477 : i32 to vector<16xi32>
      %reduce_max3A_1479 = arith.xori %select_n3A_1474, %reduce_max3A_1478 : vector<16xi32>
      %reduce_max3A_1480 = tpu.scan <max>, %reduce_max3A_1479 masked %reduce_max3A_1476 : vector<16xi32>, vector<16xi1> -> vector<16xi32>
      %reduce_max3A_1481 = arith.xori %reduce_max3A_1480, %reduce_max3A_1478 : vector<16xi32>
      %reduce_max3A_1482 = vector.extract %reduce_max3A_1481[15] : i32 from vector<16xi32>
      %mul3A_1483 = arith.constant 16 : i32
      %mul3A_1484 = arith.muli %reduce_max3A_1482, %mul3A_1483 : i32
      %add3A_1485 = vector.broadcast %mul3A_1484 : i32 to vector<16xi32>
      %add3A_1486 = arith.addi %add3A_1485, %iota3A : vector<16xi32>
      %jit3A_1487 = arith.constant 0 : i32
      %broadcast_in_dim3A_1488 = vector.broadcast %jit3A_1487 : i32 to vector<16xi32>
      %select_n3A_1489 = arith.select %lt3A_1457, %add3A_1486, %broadcast_in_dim3A_1488 : vector<16xi1>, vector<16xi32>
      %mul3A_1490 = arith.constant 16 : i32
      %mul3A_1491 = arith.muli %reduce_max3A_1471, %mul3A_1490 : i32
      %get3A_1492 = arith.constant 15 : i32
      %get3A_1493 = arith.index_cast %get3A_1492 : i32 to index
      %get3A_1494 = arith.index_cast %mul3A_1491 : i32 to index
      %get3A_1495 = tpu.vector_load %arg11[%get3A_1493, %get3A_1494] {strides = array<i32>} : memref<16x2048xf32, #tpu.memory_space<vmem>>, vector<16xf32>,
      tpu.vector_store_idx %arg12[%select_n3A_1489], %get3A_1495 masked %lt3A_1457 {add = true} : memref<16384xf32, #tpu.memory_space<vmem>>[vector<16xi32>], vector<16xf32>, vector<16xi1>
    } else {
    }
    %mul3A_763 = arith.constant 16384 : i32
    %mul3A_764 = arith.muli %add3A, %mul3A_763 : i32
    "tpu.region"() ({
      %run_scoped3A = tpu.sem_alloc : memref<!tpu.dma_semaphore, #tpu.memory_space<semaphore_mem>>
      %dma_start3A_765 = tpu.memref_slice %arg5[%mul3A_764] : memref<524288xf32, #tpu.memory_space<hbm>> -> memref<16384xf32, #tpu.memory_space<hbm>>
      %dma_start3A_766 = tpu.memref_slice %arg5[%mul3A_764] : memref<524288xf32, #tpu.memory_space<hbm>> -> memref<16384xf32, #tpu.memory_space<hbm>>
      tpu.enqueue_dma source(%arg12 : memref<16384xf32, #tpu.memory_space<vmem>>) target(%dma_start3A_766 : memref<16384xf32, #tpu.memory_space<hbm>>) target_semaphore(%run_scoped3A : memref<!tpu.dma_semaphore, #tpu.memory_space<semaphore_mem>>)
      %dma_wait3A_767 = tpu.memref_slice %arg5[%mul3A_764] : memref<524288xf32, #tpu.memory_space<hbm>> -> memref<16384xf32, #tpu.memory_space<hbm>>
      %dma_wait3A_768 = tpu.memref_slice %arg5[%mul3A_764] : memref<524288xf32, #tpu.memory_space<hbm>> -> memref<16384xf32, #tpu.memory_space<hbm>>
      tpu.wait_dma2 semaphore(%run_scoped3A : memref<!tpu.dma_semaphore, #tpu.memory_space<semaphore_mem>>) src(%arg12 : memref<16384xf32, #tpu.memory_space<vmem>>) dst(%dma_wait3A_768 : memref<16384xf32, #tpu.memory_space<hbm>>)
      tpu.yield
    }) : () -> ()
    return
  }
}

module attributes {stable_mosaic.version = 14 : i64} {
  func.func @_mm1_body(%arg0: i32, %arg1: memref<256x4096xbf16, #tpu.memory_space<vmem>>, %arg2: memref<1024x4096xbf16, #tpu.memory_space<vmem>>, %arg3: memref<256x1024xf32, #tpu.memory_space<vmem>>) attributes {dimension_semantics = [#tpu.dimension_semantics<arbitrary>], iteration_bounds = array<i64: 2>, scalar_prefetch = 0 : i64, scratch_operands = 0 : i64, tpu.core_type = #tpu.core_type<tc>, window_params = [{pipeline_mode = #tpu.pipeline_mode<synchronous>, transform_indices = @transform_0, window_bounds = array<i64: 256, 4096>}, {transform_indices = @transform_1, window_bounds = array<i64: 1024, 4096>}, {transform_indices = @transform_2, window_bounds = array<i64: 256, 1024>}]} {
    %get3A = arith.constant 0 : index
    %get3A_0 = arith.constant 0 : index
    %get3A_1 = vector.load %arg1[%get3A, %get3A_0] : memref<256x4096xbf16, #tpu.memory_space<vmem>>, vector<256x4096xbf16>
    %get3A_2 = arith.constant 0 : index
    %get3A_3 = arith.constant 0 : index
    %get3A_4 = vector.load %arg2[%get3A_2, %get3A_3] : memref<1024x4096xbf16, #tpu.memory_space<vmem>>, vector<1024x4096xbf16>
    %dot_general3A = arith.constant dense<0.000000e+00> : vector<256x1024xf32>
    %dot_general3A_5 = tpu.matmul %get3A_1, %get3A_4, %dot_general3A {dimension_numbers = #tpu.dot_dimension_numbers<[1], [1], [0], [0], [0, 0, 1, 0], [], []>, transpose_lhs_hint = false} : vector<256x4096xbf16>, vector<1024x4096xbf16>, vector<256x1024xf32> -> vector<256x1024xf32>
    %swap3A = arith.constant 0 : index
    %swap3A_6 = arith.constant 0 : index
    %swap3A_7 = vector.load %arg3[%swap3A, %swap3A_6] : memref<256x1024xf32, #tpu.memory_space<vmem>>, vector<256x1024xf32>
    tpu.vector_store %arg3[%swap3A, %swap3A_6], %dot_general3A_5 {strides = array<i32>} : memref<256x1024xf32, #tpu.memory_space<vmem>>, vector<256x1024xf32>,
    return
  }
  func.func @transform_0(%arg0: i32) -> (i32, i32) {
    %c0_i32 = arith.constant 0 : i32
    %c0_i32_0 = arith.constant 0 : i32
    %c0_i32_1 = arith.constant 0 : i32
    return %c0_i32, %c0_i32_0 : i32, i32
  }
  func.func @transform_1(%arg0: i32) -> (i32, i32) {
    %c0_i32 = arith.constant 0 : i32
    %c0_i32_0 = arith.constant 0 : i32
    return %arg0, %c0_i32 : i32, i32
  }
  func.func @transform_2(%arg0: i32) -> (i32, i32) {
    %c0_i32 = arith.constant 0 : i32
    %c0_i32_0 = arith.constant 0 : i32
    return %c0_i32, %arg0 : i32, i32
  }
}

module attributes {stable_mosaic.version = 14 : i64} {
  func.func @_mm2_body(%arg0: i32, %arg1: memref<256x2048xf32, #tpu.memory_space<vmem>>, %arg2: memref<2048x2048xbf16, #tpu.memory_space<vmem>>, %arg3: memref<256x2048xbf16, #tpu.memory_space<vmem>>, %arg4: memref<256x2048xbf16, #tpu.memory_space<vmem>>) attributes {dimension_semantics = [#tpu.dimension_semantics<arbitrary>], iteration_bounds = array<i64: 2>, scalar_prefetch = 0 : i64, scratch_operands = 1 : i64, tpu.core_type = #tpu.core_type<tc>, window_params = [{pipeline_mode = #tpu.pipeline_mode<synchronous>, transform_indices = @transform_0, window_bounds = array<i64: 256, 2048>}, {transform_indices = @transform_1, window_bounds = array<i64: 2048, 2048>}, {transform_indices = @transform_2, window_bounds = array<i64: 256, 2048>}]} {
    %eq3A = arith.constant 0 : i32
    %eq3A_0 = arith.cmpi eq, %arg0, %eq3A : i32
    %convert_element_type3A = arith.extui %eq3A_0 : i1 to i32
    %cond3A = arith.constant 0 : i32
    %cond3A_1 = arith.cmpi ne, %convert_element_type3A, %cond3A : i32
    scf.if %cond3A_1 {
      %get3A_13 = arith.constant 0 : index
      %get3A_14 = arith.constant 0 : index
      %get3A_15 = vector.load %arg1[%get3A_13, %get3A_14] : memref<256x2048xf32, #tpu.memory_space<vmem>>, vector<256x2048xf32>
      %convert_element_type3A_16 = arith.truncf %get3A_15 : vector<256x2048xf32> to vector<256x2048xbf16>
      %swap3A_17 = arith.constant 0 : index
      %swap3A_18 = arith.constant 0 : index
      %swap3A_19 = vector.load %arg4[%swap3A_17, %swap3A_18] : memref<256x2048xbf16, #tpu.memory_space<vmem>>, vector<256x2048xbf16>
      tpu.vector_store %arg4[%swap3A_17, %swap3A_18], %convert_element_type3A_16 {strides = array<i32>} : memref<256x2048xbf16, #tpu.memory_space<vmem>>, vector<256x2048xbf16>,
    } else {
    }
    %get3A = arith.constant 0 : index
    %get3A_2 = arith.constant 0 : index
    %get3A_3 = vector.load %arg4[%get3A, %get3A_2] : memref<256x2048xbf16, #tpu.memory_space<vmem>>, vector<256x2048xbf16>
    %get3A_4 = arith.constant 0 : index
    %get3A_5 = arith.constant 0 : index
    %get3A_6 = vector.load %arg2[%get3A_4, %get3A_5] : memref<2048x2048xbf16, #tpu.memory_space<vmem>>, vector<2048x2048xbf16>
    %dot_general3A = arith.constant dense<0.000000e+00> : vector<256x2048xf32>
    %dot_general3A_7 = tpu.matmul %get3A_3, %get3A_6, %dot_general3A {dimension_numbers = #tpu.dot_dimension_numbers<[1], [0], [0], [1], [0, 0, 1, 1], [], []>, transpose_lhs_hint = false} : vector<256x2048xbf16>, vector<2048x2048xbf16>, vector<256x2048xf32> -> vector<256x2048xf32>
    %mul3A = arith.constant 2.000000e+00 : f32
    %mul3A_8 = vector.broadcast %mul3A : f32 to vector<256x2048xf32>
    %mul3A_9 = arith.mulf %dot_general3A_7, %mul3A_8 : vector<256x2048xf32>
    %convert_element_type3A_10 = arith.truncf %mul3A_9 : vector<256x2048xf32> to vector<256x2048xbf16>
    %swap3A = arith.constant 0 : index
    %swap3A_11 = arith.constant 0 : index
    %swap3A_12 = vector.load %arg3[%swap3A, %swap3A_11] : memref<256x2048xbf16, #tpu.memory_space<vmem>>, vector<256x2048xbf16>
    tpu.vector_store %arg3[%swap3A, %swap3A_11], %convert_element_type3A_10 {strides = array<i32>} : memref<256x2048xbf16, #tpu.memory_space<vmem>>, vector<256x2048xbf16>,
    return
  }
  func.func @transform_0(%arg0: i32) -> (i32, i32) {
    %c0_i32 = arith.constant 0 : i32
    %c0_i32_0 = arith.constant 0 : i32
    %c0_i32_1 = arith.constant 0 : i32
    return %c0_i32, %c0_i32_0 : i32, i32
  }
  func.func @transform_1(%arg0: i32) -> (i32, i32) {
    %c0_i32 = arith.constant 0 : i32
    %c0_i32_0 = arith.constant 0 : i32
    return %c0_i32, %arg0 : i32, i32
  }
  func.func @transform_2(%arg0: i32) -> (i32, i32) {
    %c0_i32 = arith.constant 0 : i32
    %c0_i32_0 = arith.constant 0 : i32
    return %c0_i32, %arg0 : i32, i32
  }
}

</mosaic_0001>

<sc_bundles>
// kernel: kernel.5.cloned.1.call-start
scs
__scs_entry_jumppad:
0x0: {  	(pc) =	sbr.rel $0x88, $3  }
0x1: {  	(tag) =	ssettag $0x0;
	lr =	simm.s32 $0x1  }
0x2: {  	[smem:$0x3F9C] =	sst lr;
	_ =	strace $0xD0000000  }
0x3: {  	_ = 	snop  }
0x4: {  	_ = 	snop  }
0x5: {  	_ = 	snop  }
0x6: {  	_ = 	snop  }
0x7: {  	_ = 	snop  }
__scs_overlays_trampoline_lowered:
0x8: {  	[smem:$0x3FAB] =	sst s0  }
0x9: {  	[smem:$0x3FAC] =	sst s1  }
0xa: {  	[smem:$0x3FAD] =	sst s2  }
0xb: {  	[smem:$0x3FAE] =	sst s3  }
0xc: {  	[smem:$0x3FAF] =	sst s4  }
0xd: {  	[smem:$0x3FB0] =	sst s5  }
0xe: {  	[smem:$0x3FB1] =	sst s6  }
0xf: {  	[smem:$0x3FB2] =	sst s7  }
0x10: {  	[smem:$0x3FB3] =	sst s8  }
0x11: {  	[smem:$0x3FB4] =	sst s9;
	s0 =	simm.s32 @!p0 $0x0  }
0x12: {  	s1 =	sld [smem:$0x3F9A];
	s0 =	simm.s32 @p0 $0x1  }
0x13: {  	[smem:$0x3FB5] =	sst s0;
	s0 =	simm.s32 @!p1 $0x0  }
0x14: {  	s2 =	sld [smem:$0x3F99];
	s0 =	simm.s32 @p1 $0x1  }
0x15: {  	[smem:$0x3FB6] =	sst s0;
	s0 =	simm.s32 @!p2 $0x0  }
0x16: {  	s3 =	sld [smem:$0x3FDB];
	s0 =	simm.s32 @p2 $0x1  }
0x17: {  	s4 =	simm.s32 $0x1BF5;
	[smem:$0x3FB8] =	sst s0  }
0x18: {  	s0 =	sld [smem:$0x3F9B];
	_ =	swait.ge [sflag:s4], $0x0  }
0x19: {  	s7 =	sld [smem:$0x3F9C]  }
0x1a: {  	s8 =	sadd.s32 $0xFFFFE003, lr  }
0x1b: {  	s9 =	sadd.s32 $0xFFFFFEF7, lr;
	s5 =	simm.s32 $0xFFFFFFFF;
	p2 =	slt.u32 s8, $0xFFFFF086  }
0x1c: {  	p1 =	slt.u32 s9, $0xF7A;
	s5 =	simm.s32 @!p2 $0x0  }
0x1d: {  	s5 =	simm.s32 @p1 $0x1;
	p0 =	seq.s32 s7, s2  }
0x1e: {  	s7 =	smul.u32 @!p0 $0xF7A, s2;
	p2 =	seq.s32 @!p0 s5, $0x0  }
0x1f: {  	s9 =	smul.u32 $0xF7A, s1;
	s8 =	simm.s32 @!p0 $0x1BF5;
	p2 =	por !p2, p0  }
0x20: {  	[sflag:s8] =	ssyncset.s32 @!p0 $0xFFFFF086;
	s6 =	sadd.s32 @!p0 s3, s7;
	s7 =	simm.s32 @!p0 $0x108  }
0x21: {  	s3 =	sadd.s32 s3, s9;
	s6 =	sadd.s32 @!p0 $0x88, s6;
	s7 =	simm.s32 @p2 $0x1082  }
0x22: {  	[simem:s7], [sflag:s8] =	dma.local @!p0 [hbm:s6], $0xF7A  }
0x23: {  	s9 =	sor.u32 $0xD0000000, s2;
	s6 =	simm.s32 $0x108;
	_ =	swait.ge @!p0 [sflag:s8], $0x0  }
0x24: {  	s3 =	sadd.s32 $0x88, s3;
	s6 =	simm.s32 @!p1 $0x1082;
	[sflag:s4] =	ssyncset.s32 $0xFFFFF086  }
0x25: {  	[simem:s6], [sflag:s4] =	dma.local [hbm:s3], $0xF7A  }
0x26: {  	[smem:$0x3F9C] =	sst s1;
	(tag) =	ssettag s2;
	_ =	strace s9  }
0x27: {  	s1 =	sld [smem:$0x3FAC]  }
0x28: {  	s2 =	sld [smem:$0x3FAD]  }
0x29: {  	s4 =	sld [smem:$0x3FAF]  }
0x2a: {  	p0 =	seq.s32 s5, $0x0;
	s5 =	sld [smem:$0x3FB0]  }
0x2b: {  	s6 =	sld [smem:$0x3FB1]  }
0x2c: {  	s7 =	sld [smem:$0x3FB2]  }
0x2d: {  	s3 =	simm.s32 $0x108;
	s8 =	sld [smem:$0x3FB3]  }
0x2e: {  	s3 =	simm.s32 @!p0 $0x1082;
	s9 =	sld [smem:$0x3FB4]  }
0x2f: {  	lr =	sadd.s32 s0, s3;
	s0 =	sld [smem:$0x3FAB]  }
0x30: {  	s3 =	sld [smem:$0x3FAE]  }
0x31: {  	[smem:$0x3FB7] =	sst s10  }
0x32: {  	s10 =	sld [smem:$0x3FB5];
	_ =	sdelay $0x3  }
0x33: {  	p0 =	seq.s32 s10, $0x1;
	s10 =	sld [smem:$0x3FB7];
	_ =	sdelay $0x3  }
0x34: {  	[smem:$0x3FB7] =	sst s10  }
0x35: {  	s10 =	sld [smem:$0x3FB6];
	_ =	sdelay $0x3  }
0x36: {  	p1 =	seq.s32 s10, $0x1;
	s10 =	sld [smem:$0x3FB7];
	_ =	sdelay $0x3  }
0x37: {  	[smem:$0x3FB7] =	sst s10  }
0x38: {  	s10 =	sld [smem:$0x3FB8]  }
0x39: {  	_ = 	snop;
	(pc) =	sbr.ind lr, $3  }
0x3a: {  	_ = 	snop  }
0x3b: {  	_ = 	snop  }
0x3c: {  	p2 =	seq.s32 s10, $0x1;
	s10 =	sld [smem:$0x3FB7]  }
0x3d: {  	_ =	shalt  }
0x3e: {  	_ =	shalt  }
0x3f: {  	_ =	shalt  }
0x40: {  	_ =	shalt  }
0x41: {  	_ =	shalt  }
0x42: {  	_ =	shalt  }
0x43: {  	_ =	shalt  }
0x44: {  	_ =	shalt  }
0x45: {  	_ =	shalt  }
0x46: {  	_ =	shalt  }
0x47: {  	_ =	shalt  }
0x48: {  	_ =	shalt  }
0x49: {  	_ =	shalt  }
0x4a: {  	_ =	shalt  }
0x4b: {  	_ =	shalt  }
0x4c: {  	_ =	shalt  }
0x4d: {  	_ =	shalt  }
0x4e: {  	_ =	shalt  }
0x4f: {  	_ =	shalt  }
0x50: {  	_ =	shalt  }
0x51: {  	_ =	shalt  }
0x52: {  	_ =	shalt  }
0x53: {  	_ =	shalt  }
0x54: {  	_ =	shalt  }
0x55: {  	_ =	shalt  }
0x56: {  	_ =	shalt  }
0x57: {  	_ =	shalt  }
0x58: {  	_ =	shalt  }
0x59: {  	_ =	shalt  }
0x5a: {  	_ =	shalt  }
0x5b: {  	_ =	shalt  }
0x5c: {  	_ =	shalt  }
0x5d: {  	_ =	shalt  }
0x5e: {  	_ =	shalt  }
0x5f: {  	_ =	shalt  }
0x60: {  	_ =	shalt  }
0x61: {  	_ =	shalt  }
0x62: {  	_ =	shalt  }
0x63: {  	_ =	shalt  }
0x64: {  	_ =	shalt  }
0x65: {  	_ =	shalt  }
0x66: {  	_ =	shalt  }
0x67: {  	_ =	shalt  }
0x68: {  	_ =	shalt  }
0x69: {  	_ =	shalt  }
0x6a: {  	_ =	shalt  }
0x6b: {  	_ =	shalt  }
0x6c: {  	_ =	shalt  }
0x6d: {  	_ =	shalt  }
0x6e: {  	_ =	shalt  }
0x6f: {  	_ =	shalt  }
0x70: {  	_ =	shalt  }
0x71: {  	_ =	shalt  }
0x72: {  	_ =	shalt  }
0x73: {  	_ =	shalt  }
0x74: {  	_ =	shalt  }
0x75: {  	_ =	shalt  }
0x76: {  	_ =	shalt  }
0x77: {  	_ =	shalt  }
0x78: {  	_ =	shalt  }
0x79: {  	_ =	shalt  }
0x7a: {  	_ =	shalt  }
0x7b: {  	_ =	shalt  }
0x7c: {  	_ =	shalt  }
0x7d: {  	_ =	shalt  }
0x7e: {  	_ =	shalt  }
0x7f: {  	_ =	shalt  }
0x80: {  	_ =	shalt  }
0x81: {  	_ =	shalt  }
0x82: {  	_ =	shalt  }
0x83: {  	_ =	shalt  }
0x84: {  	_ =	shalt  }
0x85: {  	_ =	shalt  }
0x86: {  	_ =	shalt  }
0x87: {  	_ =	shalt  }
.Lfunc_end0:
.L_simem_size_0:
called_computation_lowered:
.L_overlay_start_0:
0x88: {  	s2 =	sld [smem:$0x3FD9]  }
0x89: {  	s3 =	sld [smem:$0x3FFE];
	_ =	sdelay $0x1  }
0x8a: {  	s1 =	srdreg.scid  }
0x8b: {  	s0 =	sand.u32 $0x1, s1  }
0x8c: {  	s17 =	sshll.u32 s0, $0xA;
	s2 =	sadd.s32 s3, s2  }
0x8d: {  	s2 =	sadd.s32 s2, s17  }
0x8e: {  	[smem:$0x3FC3] =	sst s2  }
0x8f: {  	_ = 	snop  }
0x90: {  	s2 =	sld [smem:$0x3FC8]  }
0x91: {  	s18 =	sld [smem:$0x3FC7]  }
0x92: {  	s4 =	sld [smem:$0x3FD0];
	(tm) =	ssettm $0x1  }
0x93: {  	s5 =	sld [smem:$0x3FFB];
	_ =	sdelay $0x3  }
0x94: {  	_ =	strace s5  }
0x95: {  	s5 =	sld [smem:$0x3FFC];
	_ =	sdelay $0x3  }
0x96: {  	_ =	strace s5  }
0x97: {  	s5 =	sld [smem:$0x3FFD];
	_ =	sdelay $0x3  }
0x98: {  	_ =	strace s5  }
0x99: {  	_ =	strace $0x8FFFFFFF  }
0x9a: {  	s19 =	sld [smem:$0x3FDB];
	_ =	sdelay $0x1  }
0x9b: {  	s6 =	simm.s32 $_scs_section_size  }
0x9c: {  	s7 =	simm.s32 $_size__tile_overlayer_lowered;
	s8 =	simm.s32 $_tile_overlayer_lowered  }
0x9d: {  	s22 =	simm.s32 $0x1BFF;
	s21 =	sshll.u32 s8, $0x1;
	s5 =	sadd.s32 s6, s19  }
0x9e: {  	s9 =	simm.s32 $0x0;
	s20 =	sshll.u32 s7, $0x1;
	s7 =	sadd.s32 s21, s5  }
0x9f: {  	[timem:s9], [sflag:s22] =	dma.local [hbm:s7], s20  }
0xa0: {  	_ =	swait.ge [sflag:s22], s20  }
0xa1: {  	s6 =	ssub.s32 $0x0, s20;
	[sflag:s22] =	ssyncset.done $0x0  }
0xa2: {  	[sflag:s22] =	ssyncadd.s32 s6;
	_ =	sdelay $0x1  }
0xa3: {  	s23 =	simm.s32 $0x1B8B  }
0xa4: {  	_ =	swait.ge [sflag:s23], $0x1  }
0xa5: {  	[sflag:s23] =	ssyncset.done $0x0  }
0xa6: {  	s25 =	simm.s32 $0x1B8E;
	s24 =	sld [smem:$0x3FFE];
	[sflag:s23] =	ssyncadd.s32 $0xFFFFFFFF  }
0xa7: {  	s26 =	simm.s32 $execute0_lowered;
	[smem:$0x3FD2] =	sst s25  }
0xa8: {  	s7 =	sshll.u32 s26, $0x1;
	_ =	strace $0x80000046;
	[dreg:$0x1] =	wrdreg $0xFFFFFFFF  }
0xa9: {  	s28 =	simm.s32 $_size_execute0_lowered;
	s5 =	sadd.s32 s5, s7;
	[dreg:$0x0] =	wrdreg $0x0  }
0xaa: {  	s7 =	sshll.u32 s28, $0x1;
	[dreg:$0x2] =	wrdreg s5  }
0xab: {  	[dreg:$0x3] =	wrdreg s7  }
0xac: {  	[dreg:$0x4] =	wrdreg $0xC0  }
0xad: {  	_ =	task [dreg:s9], $0x5FFFF  }
0xae: {  	[dreg:$0x1] =	wrdreg $0xFFFFFFFF  }
0xaf: {  	[dreg:$0x0] =	wrdreg $0x60  }
0xb0: {  	[dreg:$0x2] =	wrdreg s2  }
0xb1: {  	[dreg:$0x3] =	wrdreg s18  }
0xb2: {  	[dreg:$0x4] =	wrdreg s4  }
0xb3: {  	[dreg:$0x5] =	wrdreg s24  }
0xb4: {  	[dreg:$0x6] =	wrdreg $0x9  }
0xb5: {  	_ =	task.clear_ibuf [dreg:s9], $0x7FFFF;
	_ =	strace $0x90000046  }
0xb6: {  	s29 =	simm.s32 $0x9;
	_ =	strace $0x80000048  }
0xb7: {  	_ =	swait.ge [sflag:s29], $0x1  }
0xb8: {  	[sflag:s29] =	ssyncadd.s32 $0xFFFFFFFF  }
0xb9: {  	_ =	strace $0x90000048  }
0xba: {  	_ =	sfence  }
0xbb: {  	s30 =	sld [smem:$0x0];
	_ =	sdelay $0x2  }
0xbc: {  	s31 =	sshll.u32 s1, $0xD;
	s1 =	sshrl.u32 s1, $0x2  }
0xbd: {  	s3 =	sand.u32 $0x4000, s31;
	s1 =	sadd.s32 s1, s30  }
0xbe: {  	s0 =	sor.u32 s3, s0;
	s1 =	sshll.u32 s1, $0x11  }
0xbf: {  	s0 =	sor.u32 s1, s0  }
0xc0: {  	s0 =	sadd.s32 $0x8F2B, s0  }
0xc1: {  	[sflag:s0] =	ssyncadd.remote.s32 $0x1  }
0xc2: {  	_ =	sfence.sel $0xFFFF  }
0xc3: {  	[dreg:$0x0] =	wrdreg $0xFFFFFFFF;
	(pc) =	sbr.abs _section_cstart, $3  }
0xc4: {  	[dreg:$0x1] =	wrdreg $0xFFFFFFFF  }
0xc5: {  	_ =	task.clear_ibuf [dreg:s9], $0x2FFFF;
	_ =	strace $0x9FFFFFFF  }
0xc6: {  	(tm) =	ssettm $0x7FFFFFFF  }
0xc7: {  	_ =	shalt  }
tec
execute0_lowered:
.L_overlay_start_1:
0x0: {  	(tag) =	ssettag $0x1  }
0x1: {  	s2 =	rddreg [dreg:$0x0]  }
0x2: {  	s0 =	srdreg.scid;
	s7 =	rddreg [dreg:$0x1]  }
0x3: {  	s11 =	stileid.u32;
	s8 =	rddreg [dreg:$0x3];
	s12 =	simm.s32 $0x8  }
0x4: {  	s20 =	simm.s32 $0x1;
	s31 =	simm.s32 $0x4A00;
	s17 =	simm.s32 $0x6200  }
0x5: {  	s18 =	simm.s32 $0x6A00;
	s19 =	simm.s32 $0x7200;
	s21 =	simm.s32 $0x7A00  }
0x6: {  	v0 =	vlaneseq.u32;
	v6 =	vimm.f32 $0.0e+00;
	s0 =	sand.u32 $0x1, s0;
	s1 =	sshll.u32 s11, $0x1;
	p1 =	slt.u32 s11, $0x8  }
0x7: {  	vm10 =	vmmov $0x1;
	vm12 =	vcmask $0x2F34;
	s22 =	simm.s32 $0x2;
	vm13 =	vcmask $0x3338;
	s5 =	sor.u32 s0, s1;
	s12 =	simm.s32 @!p1 $0x10  }
0x8: {  	s23 =	simm.s32 $0x10200;
	vm14 =	vcmask $0x373C;
	vm15 =	vmmov $0x7fff;
	s1 =	sshll.u32 s5, $0x4;
	s4 =	sshll.u32 s5, $0x5;
	v7 =	vmov s12  }
0x9: {  	p0 =	slt.u32 s11, $0xC;
	v1 =	vor.u32 $0xFFFFFF80, v0;
	v2 =	vor.u32 $0xFFFFFF00, v0;
	s1 =	sadd.s32 $0xFFFFFF80, s1;
	s6 =	sadd.s32 $0xFFFFFE00, s4;
	vm2 =	vgt.u32 v7, $0xF  }
0xa: {  	s24 =	simm.s32 $0x3;
	s3 =	sshll.u32 s5, $0x3;
	vm3 =	vgt.u32 v7, $0xE;
	vm4 =	vgt.u32 v7, $0xD;
	vm5 =	vgt.u32 v7, $0xC;
	s6 =	smov.u32 @p0 s1  }
0xb: {  	s25 =	simm.s32 $0x4;
	s26 =	simm.s32 $0x0;
	vm6 =	vgt.u32 v7, $0xB;
	vm7 =	vgt.u32 v7, $0xA;
	vm8 =	vgt.u32 v7, $0x9;
	s6 =	smov.u32 @p1 s3  }
0xc: {  	s0 =	ssub.s32 $0x2, s0;
	s9 =	sshll.u32 s5, $0xB;
	s4 =	sadd.s32 $0xFFFFFE10, s4;
	vm9 =	vgt.u32 v7, $0x8;
	v3 =	vadd.s32 s6, v0;
	v4 =	vadd.s32 s6, v1  }
0xd: {  	s10 =	sshrl.u32 s0, $0x1;
	s30 =	sshll.u32 s5, $0xA;
	s15 =	sadd.s32 s9, s8;
	v5 =	vadd.s32 s6, v2;
	v1 =	vadd.s32 s4, v1;
	v2 =	vadd.s32 s4, v2  }
0xe: {  	s0 =	ssub.s32 s0, s10;
	s13 =	ssub.s32 $0x0, s30;
	s1 =	rddreg [dreg:$0x2];
	vm0 =	vlt.s32 v3, $0x80;
	v4 =	vshrl.u32 v4, $0x1;
	v5 =	vshrl.u32 v5, $0x2  }
0xf: {  	s15 =	sadd.s32 $0x600, s15;
	s16 =	smax.u32 s0, $0x1;
	s0 =	simm.s32 $0x5A00;
	vm1 =	vlt.s32 v3, $0x100;
	v1 =	vshrl.u32 v1, $0x1;
	v2 =	vshrl.u32 v2, $0x2  }
0x10: {  	s3 =	simm.s32 $0x0;
	p1 =	sgt.u32 s11, $0xB;
	s9 =	sadd.s32 $0x200, s1;
	v4 =	vadd.s32 $0x80, v4;
	v5 =	vadd.s32 $0xC0, v5;
	v1 =	vadd.s32 $0x80, v1  }
0x11: {  	s10 =	sadd.s32 $0x300, s1;
	s11 =	sadd.s32 $0x400, s1;
	s12 =	sadd.s32 $0x500, s1;
	v2 =	vadd.s32 $0xC0, v2;
	v4 =	vsel vm1, v4, v5;
	v5 =	vor.u32 s4, v0  }
.Ltmp0:
0x12: {  	s14 =	sadd.s32 $0x700, s1;
	s8 =	smov.u32 s6;
	vm1 =	vlt.s32 v5, $0x100;
	v3 =	vsel vm0, v3, v4;
	vm0 =	vlt.s32 v5, $0x80;
	(pc) =	sbr.rel .LBB2_1-.Ltmp0, $4  }
0x13: {  	[smem:$0x7FF] =	sst s3;
	s6 =	sshrl.u32 s6, $0x3;
	s8 =	smov.u32 @p1 s4;
	v4 =	vshrl.u32 v0, $0x3;
	v1 =	vsel vm1, v1, v2;
	v2 =	vshll.u32 v3, $0x7  }
0x14: {  	_ =	strace $0x80000047;
	s5 =	sadd.s32 s7, s6;
	s8 =	sshrl.u32 s8, $0x3;
	v4 =	vmul.u32 $0x8, v4;
	vm1 =	vmmov @!p0 $0xffff;
	v3 =	vsel vm0, v5, v1  }
0x15: {  	s4 =	sadd.s32 s2, s6;
	s6 =	sadd.s32 s2, s8;
	s7 =	sadd.s32 s7, s8;
	v1 =	vadd.s32 s13, v2;
	vm0 =	vmmov $0xffff;
	v2 =	vshll.u32 v3, $0x7  }
0x16: {  	s8 =	sadd.s32 $0x100, s1;
	s2 =	simm.s32 $0x5200;
	v5 =	vor.u32 $0x8, v0;
	v3 =	vand.u32 $0x7, v0;
	v2 =	vadd.s32 s13, v2;
	s13 =	sadd.s32 $0x600, s1  }
.LBB2_5:
0x17: {  	s26 =	sadd.s32 $0x1, s26  }
0x18: {  	p1 =	sne.s32 s26, s16  }
.Ltmp1:
0x19: {  	_ = 	snop;
	(pc) =	sbr.rel @!p1 .LBB2_6-.Ltmp1, $4  }
0x1a: {  	[hbm4b:s15+s3] =	stream.linear.scatter [tilespmem:s23], [sflag:$0x4], $0x4000, $0x38;
	[tilespmem:$0x14200] =	vst v63  }
0x1b: {  	_ =	swait.ge [sflag:s25], $0x4000  }
0x1c: {  	[sflag:s25] =	ssyncset.done $0x0  }
0x1d: {  	[sflag:s25] =	ssyncadd.s32 $0xFFFFC000  }
.LBB2_1:
0x1e: {  	[tilespmem:s3], [sflag:$0x1] =	stream.linear.gather [hbm4b:s4+s3], $0x10, $0x38;
	[tilespmem:$0x14200] =	vst v63  }
0x1f: {  	s28 =	simm.s32 $0x80  }
0x20: {  	[tilespmem:s28], [sflag:$0x1] =	stream.linear.gather [hbm4b:s5+s3], $0x10, $0x38;
	[tilespmem:$0x14200] =	vst v63  }
0x21: {  	s28 =	simm.s32 $0x100  }
0x22: {  	[tilespmem:s28], [sflag:$0x1] =	stream.linear.gather [hbm4b:s6+s3], $0x10, $0x38;
	[tilespmem:$0x14200] =	vst v63  }
0x23: {  	s28 =	simm.s32 $0x180  }
0x24: {  	[tilespmem:s28], [sflag:$0x1] =	stream.linear.gather [hbm4b:s7+s3], $0x10, $0x38;
	[tilespmem:$0x14200] =	vst v63  }
0x25: {  	_ =	swait.ge [sflag:s20], $0x10  }
0x26: {  	[sflag:s20] =	ssyncset.done $0x0  }
0x27: {  	[sflag:s20] =	ssyncadd.s32 $0xFFFFFFF0  }
0x28: {  	_ =	swait.ge [sflag:s20], $0x10  }
0x29: {  	[sflag:s20] =	ssyncset.done $0x0  }
0x2a: {  	[sflag:s20] =	ssyncadd.s32 $0xFFFFFFF0  }
0x2b: {  	_ =	swait.ge [sflag:s20], $0x10  }
0x2c: {  	[sflag:s20] =	ssyncset.done $0x0  }
0x2d: {  	[sflag:s20] =	ssyncadd.s32 $0xFFFFFFF0  }
0x2e: {  	_ =	swait.ge [sflag:s20], $0x10  }
0x2f: {  	[sflag:s20] =	ssyncset.done $0x0  }
0x30: {  	[sflag:s20] =	ssyncadd.s32 $0xFFFFFFF0  }
0x31: {  	v7 =	vld [tilespmem:$0x0];
	_ =	sdelay $0x4  }
0x32: {  	v8 =	vshll.u32 v7, $0x4  }
0x33: {  	v7 =	vand.u32 $0x7, v7;
	v8 =	vand.u32 $0xFFFFFF80, v8  }
0x34: {  	v7 =	vor.u32 v7, v8  }
0x35: {  	v8 =	vperm.xlane v7, v3;
	_ =	sdelay $0x1  }
0x36: {  	v8 =	vadd.s32 v4, v8;
	_ =	sdelay $0x3  }
0x37: {  	s28 =	simm.s32 $0x200  }
0x38: {  	[tilespmem:s28], [sflag:$0x2] =	stream.indirect_vreg.gather [hbm4b:s1+s3], $0x80, v8, vm0, $0xb8;
	[tilespmem:$0x14200] =	vst v63  }
0x39: {  	s28 =	simm.s32 $0xA00  }
0x3a: {  	[tilespmem:s28], [sflag:$0x2] =	stream.indirect_vreg.gather [hbm4b:s8+s3], $0x80, v8, vm0, $0xb8;
	[tilespmem:$0x14200] =	vst v63  }
0x3b: {  	s28 =	simm.s32 $0x1200  }
0x3c: {  	[tilespmem:s28], [sflag:$0x2] =	stream.indirect_vreg.gather [hbm4b:s9+s3], $0x80, v8, vm0, $0xb8;
	[tilespmem:$0x14200] =	vst v63  }
0x3d: {  	s28 =	simm.s32 $0x1A00  }
0x3e: {  	[tilespmem:s28], [sflag:$0x2] =	stream.indirect_vreg.gather [hbm4b:s10+s3], $0x80, v8, vm0, $0xb8;
	[tilespmem:$0x14200] =	vst v63  }
0x3f: {  	s28 =	simm.s32 $0x2200  }
0x40: {  	[tilespmem:s28], [sflag:$0x2] =	stream.indirect_vreg.gather [hbm4b:s11+s3], $0x80, v8, vm0, $0xb8;
	[tilespmem:$0x14200] =	vst v63  }
0x41: {  	v7 =	vperm.xlane v7, v5;
	s28 =	simm.s32 $0x2A00  }
0x42: {  	[tilespmem:s28], [sflag:$0x2] =	stream.indirect_vreg.gather [hbm4b:s12+s3], $0x80, v8, vm0, $0xb8;
	[tilespmem:$0x14200] =	vst v63  }
0x43: {  	v7 =	vadd.s32 v4, v7;
	s28 =	simm.s32 $0x3200  }
0x44: {  	[tilespmem:s28], [sflag:$0x2] =	stream.indirect_vreg.gather [hbm4b:s13+s3], $0x80, v8, vm0, $0xb8;
	[tilespmem:$0x14200] =	vst v63  }
0x45: {  	s28 =	simm.s32 $0x3A00  }
0x46: {  	[tilespmem:s28], [sflag:$0x2] =	stream.indirect_vreg.gather [hbm4b:s14+s3], $0x80, v8, vm0, $0xb8;
	[tilespmem:$0x14200] =	vst v63  }
0x47: {  	s28 =	simm.s32 $0x4200  }
0x48: {  	[tilespmem:s28], [sflag:$0x2] =	stream.indirect_vreg.gather [hbm4b:s1+s3], $0x80, v7, vm0, $0xb8;
	[tilespmem:$0x14200] =	vst v63  }
0x49: {  	_ = 	snop  }
0x4a: {  	[tilespmem:s31], [sflag:$0x2] =	stream.indirect_vreg.gather [hbm4b:s8+s3], $0x80, v7, vm0, $0xb8;
	[tilespmem:$0x14200] =	vst v63  }
0x4b: {  	_ = 	snop  }
0x4c: {  	[tilespmem:s2], [sflag:$0x2] =	stream.indirect_vreg.gather [hbm4b:s9+s3], $0x80, v7, vm0, $0xb8;
	[tilespmem:$0x14200] =	vst v63  }
0x4d: {  	_ = 	snop  }
0x4e: {  	[tilespmem:s0], [sflag:$0x2] =	stream.indirect_vreg.gather [hbm4b:s10+s3], $0x80, v7, vm0, $0xb8;
	[tilespmem:$0x14200] =	vst v63  }
0x4f: {  	_ = 	snop  }
0x50: {  	[tilespmem:s17], [sflag:$0x2] =	stream.indirect_vreg.gather [hbm4b:s11+s3], $0x80, v7, vm0, $0xb8;
	[tilespmem:$0x14200] =	vst v63  }
0x51: {  	_ = 	snop  }
0x52: {  	[tilespmem:s18], [sflag:$0x2] =	stream.indirect_vreg.gather [hbm4b:s12+s3], $0x80, v7, vm0, $0xb8;
	[tilespmem:$0x14200] =	vst v63  }
0x53: {  	_ = 	snop  }
0x54: {  	[tilespmem:s19], [sflag:$0x2] =	stream.indirect_vreg.gather [hbm4b:s13+s3], $0x80, v7, vm0, $0xb8;
	[tilespmem:$0x14200] =	vst v63  }
0x55: {  	_ = 	snop  }
0x56: {  	[tilespmem:s21], [sflag:$0x2] =	stream.indirect_vreg.gather [hbm4b:s14+s3], $0x80, v7, vm0, $0xb8;
	[tilespmem:$0x14200] =	vst v63  }
0x57: {  	v7 =	vld @!p0 [tilespmem:$0x100];
	_ =	sdelay $0x4  }
0x58: {  	v8 =	vshll.u32 @!p0 v7, $0x4  }
0x59: {  	v9 =	vlaneseq.u32 @!p0;
	v7 =	vand.u32 @!p0 $0x7, v7;
	v8 =	vand.u32 @!p0 $0xFFFFFF80, v8  }
0x5a: {  	v10 =	vshrl.u32 @!p0 v9, $0x3;
	v7 =	vor.u32 @!p0 v7, v8;
	v8 =	vand.u32 @!p0 $0x7, v9  }
0x5b: {  	v10 =	vmul.u32 @!p0 $0x8, v10;
	v8 =	vperm.xlane @!p0 v7, v8;
	_ =	sdelay $0x1  }
0x5c: {  	v8 =	vadd.s32 @!p0 v10, v8;
	_ =	sdelay $0x3  }
0x5d: {  	s29 =	simm.s32 @!p0 $0x8200;
	s28 =	simm.s32 @!p0 $0x0  }
0x5e: {  	[tilespmem:s29], [sflag:$0x3] =	stream.indirect_vreg.gather @!p0 [hbm4b:s1+s28], $0x80, v8, vm1, $0xb8;
	[tilespmem:$0x14200] =	vst v63  }
0x5f: {  	s29 =	simm.s32 @!p0 $0x8A00  }
0x60: {  	[tilespmem:s29], [sflag:$0x3] =	stream.indirect_vreg.gather @!p0 [hbm4b:s8+s28], $0x80, v8, vm1, $0xb8;
	[tilespmem:$0x14200] =	vst v63  }
0x61: {  	s29 =	simm.s32 @!p0 $0x9200  }
0x62: {  	[tilespmem:s29], [sflag:$0x3] =	stream.indirect_vreg.gather @!p0 [hbm4b:s9+s28], $0x80, v8, vm1, $0xb8;
	[tilespmem:$0x14200] =	vst v63  }
0x63: {  	s29 =	simm.s32 @!p0 $0x9A00  }
0x64: {  	[tilespmem:s29], [sflag:$0x3] =	stream.indirect_vreg.gather @!p0 [hbm4b:s10+s28], $0x80, v8, vm1, $0xb8;
	[tilespmem:$0x14200] =	vst v63  }
0x65: {  	s29 =	simm.s32 @!p0 $0xA200  }
0x66: {  	v9 =	vor.u32 @!p0 $0x8, v9;
	[tilespmem:s29], [sflag:$0x3] =	stream.indirect_vreg.gather @!p0 [hbm4b:s11+s28], $0x80, v8, vm1, $0xb8;
	[tilespmem:$0x14200] =	vst v63  }
0x67: {  	v7 =	vperm.xlane @!p0 v7, v9;
	s29 =	simm.s32 @!p0 $0xAA00  }
0x68: {  	[tilespmem:s29], [sflag:$0x3] =	stream.indirect_vreg.gather @!p0 [hbm4b:s12+s28], $0x80, v8, vm1, $0xb8;
	[tilespmem:$0x14200] =	vst v63  }
0x69: {  	v7 =	vadd.s32 @!p0 v10, v7;
	s29 =	simm.s32 @!p0 $0xB200  }
0x6a: {  	[tilespmem:s29], [sflag:$0x3] =	stream.indirect_vreg.gather @!p0 [hbm4b:s13+s28], $0x80, v8, vm1, $0xb8;
	[tilespmem:$0x14200] =	vst v63  }
0x6b: {  	s29 =	simm.s32 @!p0 $0xBA00  }
0x6c: {  	[tilespmem:s29], [sflag:$0x3] =	stream.indirect_vreg.gather @!p0 [hbm4b:s14+s28], $0x80, v8, vm1, $0xb8;
	[tilespmem:$0x14200] =	vst v63  }
0x6d: {  	s29 =	simm.s32 @!p0 $0xC200  }
0x6e: {  	[tilespmem:s29], [sflag:$0x3] =	stream.indirect_vreg.gather @!p0 [hbm4b:s1+s28], $0x80, v7, vm1, $0xb8;
	[tilespmem:$0x14200] =	vst v63  }
0x6f: {  	s29 =	simm.s32 @!p0 $0xCA00  }
0x70: {  	[tilespmem:s29], [sflag:$0x3] =	stream.indirect_vreg.gather @!p0 [hbm4b:s8+s28], $0x80, v7, vm1, $0xb8;
	[tilespmem:$0x14200] =	vst v63  }
0x71: {  	s29 =	simm.s32 @!p0 $0xD200  }
0x72: {  	[tilespmem:s29], [sflag:$0x3] =	stream.indirect_vreg.gather @!p0 [hbm4b:s9+s28], $0x80, v7, vm1, $0xb8;
	[tilespmem:$0x14200] =	vst v63  }
0x73: {  	s29 =	simm.s32 @!p0 $0xDA00  }
0x74: {  	[tilespmem:s29], [sflag:$0x3] =	stream.indirect_vreg.gather @!p0 [hbm4b:s10+s28], $0x80, v7, vm1, $0xb8;
	[tilespmem:$0x14200] =	vst v63  }
0x75: {  	s29 =	simm.s32 @!p0 $0xE200  }
0x76: {  	[tilespmem:s29], [sflag:$0x3] =	stream.indirect_vreg.gather @!p0 [hbm4b:s11+s28], $0x80, v7, vm1, $0xb8;
	[tilespmem:$0x14200] =	vst v63  }
0x77: {  	s29 =	simm.s32 @!p0 $0xEA00  }
0x78: {  	[tilespmem:s29], [sflag:$0x3] =	stream.indirect_vreg.gather @!p0 [hbm4b:s12+s28], $0x80, v7, vm1, $0xb8;
	[tilespmem:$0x14200] =	vst v63  }
0x79: {  	s29 =	simm.s32 @!p0 $0xF200  }
0x7a: {  	[tilespmem:s29], [sflag:$0x3] =	stream.indirect_vreg.gather @!p0 [hbm4b:s13+s28], $0x80, v7, vm1, $0xb8;
	[tilespmem:$0x14200] =	vst v63  }
0x7b: {  	s29 =	simm.s32 @!p0 $0xFA00  }
0x7c: {  	[tilespmem:s29], [sflag:$0x3] =	stream.indirect_vreg.gather @!p0 [hbm4b:s14+s28], $0x80, v7, vm1, $0xb8;
	[tilespmem:$0x14200] =	vst v63  }
0x7d: {  	s28 =	simm.s32 $0x0;
	s29 =	simm.s32 $0x200  }
.LBB2_2:
0x7e: {  	p1 =	sne.s32 s29, $0xFE00;
	[tilespmem:s28+$0x10270] =	vst v6  }
0x7f: {  	[tilespmem:s28+$0x10200] =	vst v6  }
0x80: {  	[tilespmem:s28+$0x10210] =	vst v6  }
.Ltmp2:
0x81: {  	[tilespmem:s28+$0x10220] =	vst v6;
	(pc) =	sbr.rel @p1 .LBB2_2-.Ltmp2, $4  }
0x82: {  	[tilespmem:s28+$0x10230] =	vst v6  }
0x83: {  	[tilespmem:s28+$0x10240] =	vst v6  }
0x84: {  	[tilespmem:s28+$0x10250] =	vst v6  }
0x85: {  	[tilespmem:s28+$0x10260] =	vst v6;
	s28 =	sshra.s32 s29, $0x2;
	s29 =	sadd.s32 $0x200, s29  }
0x86: {  	[tilespmem:s28+$0x10270] =	vst v6  }
0x87: {  	[tilespmem:s28+$0x10200] =	vst v6  }
0x88: {  	[tilespmem:s28+$0x10210] =	vst v6  }
0x89: {  	[tilespmem:s28+$0x10220] =	vst v6  }
0x8a: {  	[tilespmem:s28+$0x10230] =	vst v6  }
0x8b: {  	[tilespmem:s28+$0x10240] =	vst v6  }
0x8c: {  	[tilespmem:s28+$0x10250] =	vst v6  }
0x8d: {  	[tilespmem:s28+$0x10260] =	vst v6  }
0x8e: {  	_ =	swait.ge [sflag:s22], $0x8000  }
0x8f: {  	[sflag:s22] =	ssyncset.done $0x0  }
0x90: {  	[sflag:s22] =	ssyncadd.s32 $0xFFFF8000  }
0x91: {  	v8 =	vld [tilespmem:$0x80];
	_ =	sdelay $0x4  }
0x92: {  	v9 =	vnsel vm10, $0x0, v8  }
0x93: {  	v7 =	vadd.s32 v8, v1;
	v9 =	vxor.u32 $0x80000000, v9  }
0x94: {  	v29 =	vnsel vm10, $0x0, v7;
	(xrf0) =	vmax.scan.msk.u32 $0xffff, v9  }
0x95: {  	v9 =	vxor.u32 $0x80000000, v29  }
0x96: {  	(xrf0) =	vmax.scan.msk.u32 $0xffff, v9  }
0x97: {  	vm11 =	vcmask $0x308  }
0x98: {  	v30 =	vsel vm11, $0x0, v8  }
0x99: {  	v9 =	vxor.u32 $0x80000000, v30  }
0x9a: {  	v31 =	vsel vm11, $0x0, v7;
	v10, _, _ =	vpop (xrf0);
	(xrf0) =	vmax.scan.msk.u32 $0xffff, v9  }
0x9b: {  	v9 =	vxor.u32 $0x80000000, v31;
	(v2sf) =	vpush v10, $0xF  }
0x9c: {  	v32, _, _ =	vpop (xrf0);
	(xrf0) =	vmax.scan.msk.u32 $0xffff, v9  }
0x9d: {  	vm11 =	vcmask $0x70C;
	(v2sf) =	vpush v32, $0xF  }
0x9e: {  	v33 =	vsel vm11, $0x0, v8  }
0x9f: {  	v9 =	vxor.u32 $0x80000000, v33  }
0xa0: {  	v35 =	vsel vm11, $0x0, v7;
	v34, _, _ =	vpop (xrf0);
	(xrf0) =	vmax.scan.msk.u32 $0xffff, v9  }
0xa1: {  	v9 =	vxor.u32 $0x80000000, v35;
	(v2sf) =	vpush v34, $0xF  }
0xa2: {  	vm11 =	vcmask $0xB10;
	v36, _, _ =	vpop (xrf0);
	(xrf0) =	vmax.scan.msk.u32 $0xffff, v9  }
0xa3: {  	v37 =	vsel vm11, $0x0, v8;
	(v2sf) =	vpush v36, $0xF  }
0xa4: {  	v9 =	vxor.u32 $0x80000000, v37  }
0xa5: {  	(xrf0) =	vmax.scan.msk.u32 $0xffff, v9  }
0xa6: {  	v39 =	vsel vm11, $0x0, v7;
	v38, _, _ =	vpop (xrf0)  }
0xa7: {  	v40 =	vxor.u32 $0x80000000, v39;
	(v2sf) =	vpush v38, $0xF  }
0xa8: {  	(xrf0) =	vmax.scan.msk.u32 $0xffff, v40;
	v41, _, _ =	vpop (xrf0)  }
0xa9: {  	vm11 =	vcmask $0xF14;
	(v2sf) =	vpush v41, $0xF  }
0xaa: {  	v42 =	vsel vm11, $0x0, v8;
	s30 =	spop (v2sf)  }
0xab: {  	v9 =	vxor.u32 $0x80000000, v42;
	v43, _, _ =	vpop (xrf0);
	s29 =	sshll.u32 s30, $0x4;
	s28 =	sshll.u32 s30, $0x7  }
0xac: {  	v44 =	vsel vm11, $0x0, v7;
	(xrf0) =	vmax.scan.msk.u32 $0xffff, v9;
	(v2sf) =	vpush v43, $0xF;
	s30 =	spop (v2sf);
	s29 =	sand.u32 $0x70, s29;
	s28 =	sand.u32 $0xFFFFFC00, s28  }
0xad: {  	v9 =	vxor.u32 $0x80000000, v44;
	s30 =	sshll.u32 s30, $0x4;
	s28 =	sor.u32 s29, s28  }
0xae: {  	(xrf0) =	vmax.scan.msk.u32 $0xffff, v9;
	v12, _, _ =	vpop (xrf0);
	v11 =	vor.u32 s30, v0;
	v45 =	vld [tilespmem:s28+$0x200]  }
0xaf: {  	vm11 =	vcmask $0x1318;
	(v2sf) =	vpush v12, $0xF  }
0xb0: {  	v46 =	vsel vm11, $0x0, v8;
	s30 =	spop (v2sf)  }
0xb1: {  	v9 =	vxor.u32 $0x80000000, v46;
	s29 =	sshll.u32 s30, $0x4;
	s28 =	sshll.u32 s30, $0x7  }
0xb2: {  	v48 =	vsel vm11, $0x0, v7;
	v47, _, _ =	vpop (xrf0);
	(xrf0) =	vmax.scan.msk.u32 $0xffff, v9;
	s30 =	spop (v2sf);
	s29 =	sand.u32 $0x70, s29;
	s28 =	sand.u32 $0xFFFFFC00, s28  }
0xb3: {  	v9 =	vxor.u32 $0x80000000, v48;
	(v2sf) =	vpush v47, $0xF;
	s30 =	sshll.u32 s30, $0x4;
	[tilespmem:v11+s23+$0x0] =	vst.idx.add.f32.msk $0xffff, v45;
	s28 =	sor.u32 s29, s28  }
0xb4: {  	v50, _, _ =	vpop (xrf0);
	(xrf0) =	vmax.scan.msk.u32 $0xffff, v9;
	v49 =	vor.u32 s30, v0;
	v10 =	vld [tilespmem:s28+$0x280]  }
0xb5: {  	vm11 =	vcmask $0x171C;
	(v2sf) =	vpush v50, $0xF  }
0xb6: {  	v51 =	vsel vm11, $0x0, v8;
	s30 =	spop (v2sf)  }
0xb7: {  	v9 =	vxor.u32 $0x80000000, v51;
	s29 =	sshll.u32 s30, $0x4;
	s28 =	sshll.u32 s30, $0x7  }
0xb8: {  	v53 =	vsel vm11, $0x0, v7;
	v52, _, _ =	vpop (xrf0);
	(xrf0) =	vmax.scan.msk.u32 $0xffff, v9;
	s30 =	spop (v2sf);
	s29 =	sand.u32 $0x70, s29;
	s28 =	sand.u32 $0xFFFFFC00, s28  }
0xb9: {  	v9 =	vxor.u32 $0x80000000, v53;
	(v2sf) =	vpush v52, $0xF;
	s30 =	sshll.u32 s30, $0x4;
	[tilespmem:v49+s23+$0x0] =	vst.idx.add.f32.msk $0xffff, v10;
	s28 =	sor.u32 s29, s28  }
0xba: {  	vm11 =	vcmask $0x1B20;
	v55, _, _ =	vpop (xrf0);
	(xrf0) =	vmax.scan.msk.u32 $0xffff, v9;
	v54 =	vor.u32 s30, v0;
	v10 =	vld [tilespmem:s28+$0x300]  }
0xbb: {  	v56 =	vsel vm11, $0x0, v8;
	s28 =	spop (v2sf);
	(v2sf) =	vpush v55, $0xF  }
0xbc: {  	v9 =	vxor.u32 $0x80000000, v56;
	s30 =	sshll.u32 s28, $0x4  }
0xbd: {  	(xrf0) =	vmax.scan.msk.u32 $0xffff, v9;
	s28 =	sshll.u32 s28, $0x7;
	s29 =	sand.u32 $0x70, s30  }
0xbe: {  	v58 =	vsel vm11, $0x0, v7;
	v57, _, _ =	vpop (xrf0);
	s30 =	spop (v2sf);
	s28 =	sor.u32 s29, s28  }
0xbf: {  	v59 =	vxor.u32 $0x80000000, v58;
	(v2sf) =	vpush v57, $0xF;
	s30 =	sshll.u32 s30, $0x4;
	s28 =	sor.u32 $0x380, s28;
	[tilespmem:v54+s23+$0x0] =	vst.idx.add.f32.msk $0xffff, v10  }
0xc0: {  	v61, _, _ =	vpop (xrf0);
	(xrf0) =	vmax.scan.msk.u32 $0xffff, v59;
	v60 =	vor.u32 s30, v0;
	v10 =	vld [tilespmem:s28+$0x0]  }
0xc1: {  	vm11 =	vcmask $0x1F24;
	(v2sf) =	vpush v61, $0xF  }
0xc2: {  	v62 =	vsel vm11, $0x0, v8;
	s30 =	spop (v2sf)  }
0xc3: {  	v13 =	vsel vm11, $0x0, v7;
	v9 =	vxor.u32 $0x80000000, v62;
	v63, _, _ =	vpop (xrf0);
	s29 =	sshll.u32 s30, $0x4;
	s28 =	sshll.u32 s30, $0x7  }
0xc4: {  	v15 =	vxor.u32 $0x80000000, v13;
	(xrf0) =	vmax.scan.msk.u32 $0xffff, v9;
	(v2sf) =	vpush v63, $0xF;
	s30 =	spop (v2sf);
	s29 =	sand.u32 $0x70, s29;
	s28 =	sand.u32 $0xFFFFFC00, s28  }
0xc5: {  	(xrf0) =	vmax.scan.msk.u32 $0xffff, v15;
	s30 =	sshll.u32 s30, $0x4;
	s28 =	sor.u32 s29, s28;
	[tilespmem:v60+s23+$0x0] =	vst.idx.add.f32.msk $0xffff, v10  }
0xc6: {  	v16, _, _ =	vpop (xrf0);
	v17 =	vor.u32 s30, v0;
	v10 =	vld [tilespmem:s28+$0x400]  }
0xc7: {  	vm11 =	vcmask $0x2328;
	(v2sf) =	vpush v16, $0xF  }
0xc8: {  	v18 =	vsel vm11, $0x0, v8;
	s30 =	spop (v2sf)  }
0xc9: {  	v19 =	vsel vm11, $0x0, v7;
	v9 =	vxor.u32 $0x80000000, v18;
	s29 =	sshll.u32 s30, $0x4;
	s28 =	sshll.u32 s30, $0x7  }
0xca: {  	v21 =	vxor.u32 $0x80000000, v19;
	(xrf0) =	vmax.scan.msk.u32 $0xffff, v9;
	v20, _, _ =	vpop (xrf0);
	s29 =	sand.u32 $0x70, s29;
	s28 =	sand.u32 $0xFFFFFC00, s28;
	s30 =	spop (v2sf)  }
0xcb: {  	(xrf0) =	vmax.scan.msk.u32 $0xffff, v21;
	v22, _, _ =	vpop (xrf0);
	s28 =	sor.u32 s29, s28;
	(v2sf) =	vpush v20, $0xF;
	s30 =	sshll.u32 s30, $0x4;
	[tilespmem:v17+s23+$0x0] =	vst.idx.add.f32.msk $0xffff, v10  }
0xcc: {  	(v2sf) =	vpush v22, $0xF;
	v24 =	vor.u32 s30, v0;
	v23 =	vld [tilespmem:s28+$0x480]  }
0xcd: {  	vm11 =	vcmask $0x272C  }
0xce: {  	v25 =	vsel vm11, $0x0, v8;
	s30 =	spop (v2sf)  }
0xcf: {  	v26 =	vsel vm11, $0x0, v7;
	v10 =	vxor.u32 $0x80000000, v25;
	s29 =	sshll.u32 s30, $0x4;
	s28 =	sshll.u32 s30, $0x7  }
0xd0: {  	v28 =	vxor.u32 $0x80000000, v26;
	v27, _, _ =	vpop (xrf0);
	s30 =	spop (v2sf);
	(xrf0) =	vmax.scan.msk.u32 $0xffff, v10;
	s29 =	sand.u32 $0x70, s29;
	s28 =	sand.u32 $0xFFFFFC00, s28  }
0xd1: {  	v29, _, _ =	vpop (xrf0);
	(v2sf) =	vpush v27, $0xF;
	s30 =	sshll.u32 s30, $0x4;
	(xrf0) =	vmax.scan.msk.u32 $0xffff, v28;
	s28 =	sor.u32 s29, s28;
	[tilespmem:v24+s23+$0x0] =	vst.idx.add.f32.msk $0xffff, v23  }
0xd2: {  	(v2sf) =	vpush v29, $0xF;
	v31 =	vor.u32 s30, v0;
	v30 =	vld [tilespmem:s28+$0x500]  }
0xd3: {  	vm11 =	vcmask $0x2B30;
	s28 =	spop (v2sf)  }
0xd4: {  	v32 =	vsel vm11, $0x0, v8;
	s30 =	sshll.u32 s28, $0x4  }
0xd5: {  	v33 =	vsel vm11, $0x0, v7;
	v9 =	vxor.u32 $0x80000000, v32;
	s28 =	sshll.u32 s28, $0x7;
	s29 =	sand.u32 $0x70, s30  }
0xd6: {  	v35 =	vxor.u32 $0x80000000, v33;
	v34, _, _ =	vpop (xrf0);
	(xrf0) =	vmax.scan.msk.u32 $0xffff, v9;
	s30 =	spop (v2sf);
	s28 =	sor.u32 s28, s29  }
0xd7: {  	(v2sf) =	vpush v34, $0xF;
	v36, _, _ =	vpop (xrf0);
	(xrf0) =	vmax.scan.msk.u32 $0xffff, v35;
	s30 =	sshll.u32 s30, $0x4;
	s28 =	sor.u32 $0x380, s28;
	[tilespmem:v31+s23+$0x0] =	vst.idx.add.f32.msk $0xffff, v30  }
0xd8: {  	(v2sf) =	vpush v36, $0xF;
	v38 =	vor.u32 s30, v0;
	v37 =	vld [tilespmem:s28+$0x200];
	_ =	sdelay $0x1  }
0xd9: {  	v39 =	vsel vm12, $0x0, v8;
	s28 =	spop (v2sf)  }
0xda: {  	v40 =	vsel vm12, $0x0, v7;
	v10 =	vxor.u32 $0x80000000, v39;
	s29 =	spop (v2sf);
	s30 =	sshll.u32 s28, $0x4;
	s28 =	sshll.u32 s28, $0x7  }
0xdb: {  	v42 =	vxor.u32 $0x80000000, v40;
	v41, _, _ =	vpop (xrf0);
	(xrf0) =	vmax.scan.msk.u32 $0xffff, v10;
	s29 =	sshll.u32 s29, $0x4;
	s30 =	sand.u32 $0x70, s30;
	s28 =	sand.u32 $0xFFFFFC00, s28  }
0xdc: {  	(v2sf) =	vpush v41, $0xF;
	v44, _, _ =	vpop (xrf0);
	(xrf0) =	vmax.scan.msk.u32 $0xffff, v42;
	v43 =	vor.u32 s29, v0;
	s28 =	sor.u32 s30, s28;
	[tilespmem:v38+s23+$0x0] =	vst.idx.add.f32.msk $0xffff, v37  }
0xdd: {  	(v2sf) =	vpush v44, $0xF;
	v9 =	vnsel vm9, $0x0, v43;
	v45 =	vld [tilespmem:s28+$0x4200];
	_ =	sdelay $0x1  }
0xde: {  	v46 =	vsel vm13, $0x0, v8;
	s28 =	spop (v2sf)  }
0xdf: {  	v47 =	vsel vm13, $0x0, v7;
	v11 =	vxor.u32 $0x80000000, v46;
	s29 =	spop (v2sf);
	s30 =	sshll.u32 s28, $0x4;
	s28 =	sshll.u32 s28, $0x7  }
0xe0: {  	v49 =	vxor.u32 $0x80000000, v47;
	v48, _, _ =	vpop (xrf0);
	(xrf0) =	vmax.scan.msk.u32 $0xffff, v11;
	s29 =	sshll.u32 s29, $0x4;
	s30 =	sand.u32 $0x70, s30;
	s28 =	sand.u32 $0xFFFFFC00, s28  }
0xe1: {  	(v2sf) =	vpush v48, $0xF;
	v51, _, _ =	vpop (xrf0);
	(xrf0) =	vmax.scan.msk.u32 $0xffff, v49;
	v50 =	vor.u32 s29, v0;
	s28 =	sor.u32 s30, s28;
	[tilespmem:v9+s23+$0x0] =	vst.idx.add.f32.msk vm9, v45  }
0xe2: {  	(v2sf) =	vpush v51, $0xF;
	v9 =	vnsel vm8, $0x0, v50;
	v52 =	vld [tilespmem:s28+$0x4280];
	_ =	sdelay $0x1  }
0xe3: {  	v53 =	vsel vm14, $0x0, v8;
	s28 =	spop (v2sf)  }
0xe4: {  	v54 =	vsel vm14, $0x0, v7;
	v10 =	vxor.u32 $0x80000000, v53;
	s29 =	spop (v2sf);
	s30 =	sshll.u32 s28, $0x4;
	s28 =	sshll.u32 s28, $0x7  }
0xe5: {  	v56 =	vxor.u32 $0x80000000, v54;
	v55, _, _ =	vpop (xrf0);
	(xrf0) =	vmax.scan.msk.u32 $0xffff, v10;
	s29 =	sshll.u32 s29, $0x4;
	s30 =	sand.u32 $0x70, s30;
	s28 =	sand.u32 $0xFFFFFC00, s28  }
0xe6: {  	(v2sf) =	vpush v55, $0xF;
	v58, _, _ =	vpop (xrf0);
	(xrf0) =	vmax.scan.msk.u32 $0xffff, v56;
	v57 =	vor.u32 s29, v0;
	s28 =	sor.u32 s30, s28;
	[tilespmem:v9+s23+$0x0] =	vst.idx.add.f32.msk vm8, v52  }
0xe7: {  	(v2sf) =	vpush v58, $0xF;
	v9 =	vnsel vm7, $0x0, v57;
	v59 =	vld [tilespmem:s28+$0x4300];
	_ =	sdelay $0x1  }
0xe8: {  	v8 =	vsel vm15, $0x0, v8;
	s28 =	spop (v2sf)  }
0xe9: {  	v8 =	vxor.u32 $0x80000000, v8;
	v7 =	vsel vm15, $0x0, v7;
	s29 =	spop (v2sf);
	s30 =	sshll.u32 s28, $0x4;
	s28 =	sshll.u32 s28, $0x7  }
0xea: {  	v7 =	vxor.u32 $0x80000000, v7;
	v60, _, _ =	vpop (xrf0);
	(xrf0) =	vmax.scan.msk.u32 $0xffff, v8;
	s29 =	sshll.u32 s29, $0x4;
	s30 =	sand.u32 $0x70, s30;
	s28 =	sand.u32 $0xFFFFFC00, s28  }
0xeb: {  	(v2sf) =	vpush v60, $0xF;
	v61, _, _ =	vpop (xrf0);
	(xrf0) =	vmax.scan.msk.u32 $0xffff, v7;
	v8 =	vor.u32 s29, v0;
	s28 =	sor.u32 s30, s28;
	[tilespmem:v9+s23+$0x0] =	vst.idx.add.f32.msk vm7, v59  }
0xec: {  	(v2sf) =	vpush v61, $0xF;
	v7 =	vnsel vm6, $0x0, v8;
	v8 =	vld [tilespmem:s28+$0x4380];
	_ =	sdelay $0x1  }
0xed: {  	s28 =	spop (v2sf)  }
0xee: {  	s29 =	spop (v2sf);
	s30 =	sshll.u32 s28, $0x4;
	s28 =	sshll.u32 s28, $0x7  }
0xef: {  	v62, _, _ =	vpop (xrf0);
	s29 =	sshll.u32 s29, $0x4;
	s30 =	sand.u32 $0x70, s30;
	s28 =	sand.u32 $0xFFFFFC00, s28  }
0xf0: {  	(v2sf) =	vpush v62, $0xF;
	s28 =	sor.u32 s30, s28;
	[tilespmem:v7+s23+$0x0] =	vst.idx.add.f32.msk vm6, v8;
	v7 =	vor.u32 s29, v0;
	v8, _, _ =	vpop (xrf0)  }
0xf1: {  	v7 =	vnsel vm5, $0x0, v7;
	v63 =	vld [tilespmem:s28+$0x4400];
	(v2sf) =	vpush v8, $0xF;
	_ =	sdelay $0x1  }
0xf2: {  	s28 =	spop (v2sf)  }
0xf3: {  	s29 =	spop (v2sf);
	s30 =	sshll.u32 s28, $0x4;
	s28 =	sshll.u32 s28, $0x7  }
0xf4: {  	s29 =	sshll.u32 s29, $0x4;
	s30 =	sand.u32 $0x70, s30;
	s28 =	sand.u32 $0xFFFFFC00, s28  }
0xf5: {  	s28 =	sor.u32 s30, s28;
	[tilespmem:v7+s23+$0x0] =	vst.idx.add.f32.msk vm5, v63;
	v7 =	vor.u32 s29, v0  }
0xf6: {  	v7 =	vnsel vm4, $0x0, v7;
	v8 =	vld [tilespmem:s28+$0x4480];
	_ =	sdelay $0x1  }
0xf7: {  	s28 =	spop (v2sf)  }
0xf8: {  	s29 =	spop (v2sf);
	s30 =	sshll.u32 s28, $0x4;
	s28 =	sshll.u32 s28, $0x7  }
0xf9: {  	s29 =	sshll.u32 s29, $0x4;
	s30 =	sand.u32 $0x70, s30;
	s28 =	sand.u32 $0xFFFFFC00, s28  }
0xfa: {  	s28 =	sor.u32 s30, s28;
	[tilespmem:v7+s23+$0x0] =	vst.idx.add.f32.msk vm4, v8;
	v7 =	vor.u32 s29, v0  }
0xfb: {  	v7 =	vnsel vm3, $0x0, v7;
	v8 =	vld [tilespmem:s28+$0x4500];
	_ =	sdelay $0x1  }
0xfc: {  	s28 =	spop (v2sf)  }
0xfd: {  	s30 =	sshll.u32 s28, $0x4;
	s28 =	sshll.u32 s28, $0x7;
	s29 =	spop (v2sf)  }
0xfe: {  	s30 =	sand.u32 $0x70, s30;
	s28 =	sand.u32 $0xFFFFFC00, s28;
	s29 =	sshll.u32 s29, $0x4  }
0xff: {  	s28 =	sor.u32 s30, s28;
	[tilespmem:v7+s23+$0x0] =	vst.idx.add.f32.msk vm3, v8;
	v7 =	vor.u32 s29, v0  }
0x100: {  	v7 =	vnsel vm2, $0x0, v7;
	v8 =	vld [tilespmem:s28+$0x4580]  }
.Ltmp3:
0x101: {  	_ = 	snop;
	(pc) =	sbr.rel @p0 .LBB2_5-.Ltmp3, $2  }
0x102: {  	_ =	sdelay $0x2  }
0x103: {  	[tilespmem:v7+s23+$0x0] =	vst.idx.add.f32.msk vm2, v8  }
0x104: {  	_ =	swait.ge [sflag:s24], $0x8000  }
0x105: {  	[sflag:s24] =	ssyncset.done $0x0  }
0x106: {  	[sflag:s24] =	ssyncadd.s32 $0xFFFF8000  }
0x107: {  	v8 =	vld [tilespmem:$0x180];
	_ =	sdelay $0x4  }
0x108: {  	v9 =	vnsel vm10, $0x0, v8  }
0x109: {  	v7 =	vadd.s32 v8, v2;
	v9 =	vxor.u32 $0x80000000, v9  }
0x10a: {  	v41 =	vnsel vm10, $0x0, v7;
	(xrf0) =	vmax.scan.msk.u32 $0xffff, v9  }
0x10b: {  	v9 =	vxor.u32 $0x80000000, v41  }
0x10c: {  	(xrf0) =	vmax.scan.msk.u32 $0xffff, v9  }
0x10d: {  	vm11 =	vcmask $0x308  }
0x10e: {  	v42 =	vsel vm11, $0x0, v8  }
0x10f: {  	v9 =	vxor.u32 $0x80000000, v42  }
0x110: {  	v43 =	vsel vm11, $0x0, v7;
	v10, _, _ =	vpop (xrf0);
	(xrf0) =	vmax.scan.msk.u32 $0xffff, v9  }
0x111: {  	v9 =	vxor.u32 $0x80000000, v43;
	(v2sf) =	vpush v10, $0xF  }
0x112: {  	v44, _, _ =	vpop (xrf0);
	(xrf0) =	vmax.scan.msk.u32 $0xffff, v9  }
0x113: {  	vm11 =	vcmask $0x70C;
	(v2sf) =	vpush v44, $0xF  }
0x114: {  	v45 =	vsel vm11, $0x0, v8  }
0x115: {  	v9 =	vxor.u32 $0x80000000, v45  }
0x116: {  	v47 =	vsel vm11, $0x0, v7;
	v46, _, _ =	vpop (xrf0);
	(xrf0) =	vmax.scan.msk.u32 $0xffff, v9  }
0x117: {  	v9 =	vxor.u32 $0x80000000, v47;
	(v2sf) =	vpush v46, $0xF  }
0x118: {  	v48, _, _ =	vpop (xrf0);
	(xrf0) =	vmax.scan.msk.u32 $0xffff, v9  }
0x119: {  	vm11 =	vcmask $0xB10;
	(v2sf) =	vpush v48, $0xF  }
0x11a: {  	v49 =	vsel vm11, $0x0, v8  }
0x11b: {  	v9 =	vxor.u32 $0x80000000, v49  }
0x11c: {  	v51 =	vsel vm11, $0x0, v7;
	v50, _, _ =	vpop (xrf0);
	(xrf0) =	vmax.scan.msk.u32 $0xffff, v9  }
0x11d: {  	v9 =	vxor.u32 $0x80000000, v51;
	(v2sf) =	vpush v50, $0xF  }
0x11e: {  	v52, _, _ =	vpop (xrf0);
	(xrf0) =	vmax.scan.msk.u32 $0xffff, v9  }
0x11f: {  	vm11 =	vcmask $0xF14;
	(v2sf) =	vpush v52, $0xF  }
0x120: {  	v53 =	vsel vm11, $0x0, v8;
	s28 =	spop (v2sf)  }
0x121: {  	v9 =	vxor.u32 $0x80000000, v53;
	s29 =	sshll.u32 s28, $0x4;
	s28 =	sshll.u32 s28, $0x7  }
0x122: {  	v55 =	vsel vm11, $0x0, v7;
	s30 =	spop (v2sf);
	s29 =	sand.u32 $0x70, s29;
	s28 =	sand.u32 $0xFFFFFC00, s28;
	v54, _, _ =	vpop (xrf0);
	(xrf0) =	vmax.scan.msk.u32 $0xffff, v9  }
0x123: {  	s30 =	sshll.u32 s30, $0x4;
	v9 =	vxor.u32 $0x80000000, v55;
	s28 =	sor.u32 s29, s28;
	(v2sf) =	vpush v54, $0xF  }
0x124: {  	v11 =	vor.u32 s30, v0;
	v12, _, _ =	vpop (xrf0);
	(xrf0) =	vmax.scan.msk.u32 $0xffff, v9;
	v56 =	vld [tilespmem:s28+$0x8200]  }
0x125: {  	vm11 =	vcmask $0x1318;
	(v2sf) =	vpush v12, $0xF  }
0x126: {  	v57 =	vsel vm11, $0x0, v8;
	s30 =	spop (v2sf)  }
0x127: {  	v9 =	vxor.u32 $0x80000000, v57;
	s29 =	sshll.u32 s30, $0x4;
	s28 =	sshll.u32 s30, $0x7  }
0x128: {  	v59 =	vsel vm11, $0x0, v7;
	s30 =	spop (v2sf);
	s29 =	sand.u32 $0x70, s29;
	s28 =	sand.u32 $0xFFFFFC00, s28;
	v58, _, _ =	vpop (xrf0);
	(xrf0) =	vmax.scan.msk.u32 $0xffff, v9  }
0x129: {  	s30 =	sshll.u32 s30, $0x4;
	v9 =	vxor.u32 $0x80000000, v59;
	[tilespmem:v11+s23+$0x0] =	vst.idx.add.f32.msk $0xffff, v56;
	s28 =	sor.u32 s29, s28;
	(v2sf) =	vpush v58, $0xF  }
0x12a: {  	v60 =	vor.u32 s30, v0;
	v61, _, _ =	vpop (xrf0);
	(xrf0) =	vmax.scan.msk.u32 $0xffff, v9;
	v10 =	vld [tilespmem:s28+$0x8280]  }
0x12b: {  	vm11 =	vcmask $0x171C;
	(v2sf) =	vpush v61, $0xF  }
0x12c: {  	v62 =	vsel vm11, $0x0, v8;
	s30 =	spop (v2sf)  }
0x12d: {  	v9 =	vxor.u32 $0x80000000, v62;
	s29 =	sshll.u32 s30, $0x4;
	s28 =	sshll.u32 s30, $0x7  }
0x12e: {  	v16 =	vsel vm11, $0x0, v7;
	s30 =	spop (v2sf);
	s29 =	sand.u32 $0x70, s29;
	s28 =	sand.u32 $0xFFFFFC00, s28;
	v63, _, _ =	vpop (xrf0);
	(xrf0) =	vmax.scan.msk.u32 $0xffff, v9  }
0x12f: {  	s30 =	sshll.u32 s30, $0x4;
	v9 =	vxor.u32 $0x80000000, v16;
	[tilespmem:v60+s23+$0x0] =	vst.idx.add.f32.msk $0xffff, v10;
	s28 =	sor.u32 s29, s28;
	(v2sf) =	vpush v63, $0xF  }
0x130: {  	vm11 =	vcmask $0x1B20;
	v17 =	vor.u32 s30, v0;
	v18, _, _ =	vpop (xrf0);
	(xrf0) =	vmax.scan.msk.u32 $0xffff, v9;
	v10 =	vld [tilespmem:s28+$0x8300]  }
0x131: {  	v19 =	vsel vm11, $0x0, v8;
	(v2sf) =	vpush v18, $0xF  }
0x132: {  	v9 =	vxor.u32 $0x80000000, v19;
	s30 =	spop (v2sf)  }
0x133: {  	(xrf0) =	vmax.scan.msk.u32 $0xffff, v9;
	s29 =	sshll.u32 s30, $0x4;
	s28 =	sshll.u32 s30, $0x7  }
0x134: {  	v21 =	vsel vm11, $0x0, v7;
	s30 =	spop (v2sf);
	v20, _, _ =	vpop (xrf0);
	s29 =	sand.u32 $0x70, s29;
	s28 =	sand.u32 $0xFFFFFC00, s28  }
0x135: {  	v22 =	vxor.u32 $0x80000000, v21;
	s30 =	sshll.u32 s30, $0x4;
	[tilespmem:v17+s23+$0x0] =	vst.idx.add.f32.msk $0xffff, v10;
	s28 =	sor.u32 s29, s28;
	(v2sf) =	vpush v20, $0xF  }
0x136: {  	(xrf0) =	vmax.scan.msk.u32 $0xffff, v22;
	v23 =	vor.u32 s30, v0;
	v24, _, _ =	vpop (xrf0);
	v10 =	vld [tilespmem:s28+$0x8380]  }
0x137: {  	vm11 =	vcmask $0x1F24;
	(v2sf) =	vpush v24, $0xF  }
0x138: {  	v25 =	vsel vm11, $0x0, v8;
	s30 =	spop (v2sf)  }
0x139: {  	v9 =	vxor.u32 $0x80000000, v25;
	v26, _, _ =	vpop (xrf0);
	s29 =	sshll.u32 s30, $0x4;
	s28 =	sshll.u32 s30, $0x7  }
0x13a: {  	v27 =	vsel vm11, $0x0, v7;
	(xrf0) =	vmax.scan.msk.u32 $0xffff, v9;
	(v2sf) =	vpush v26, $0xF;
	s30 =	spop (v2sf);
	s29 =	sand.u32 $0x70, s29;
	s28 =	sand.u32 $0xFFFFFC00, s28  }
0x13b: {  	v9 =	vxor.u32 $0x80000000, v27;
	s30 =	sshll.u32 s30, $0x4;
	[tilespmem:v23+s23+$0x0] =	vst.idx.add.f32.msk $0xffff, v10;
	s28 =	sor.u32 s29, s28  }
0x13c: {  	v29, _, _ =	vpop (xrf0);
	(xrf0) =	vmax.scan.msk.u32 $0xffff, v9;
	v28 =	vor.u32 s30, v0;
	v10 =	vld [tilespmem:s28+$0x8400]  }
0x13d: {  	vm11 =	vcmask $0x2328;
	(v2sf) =	vpush v29, $0xF  }
0x13e: {  	v30 =	vsel vm11, $0x0, v8;
	s30 =	spop (v2sf)  }
0x13f: {  	v9 =	vxor.u32 $0x80000000, v30;
	s29 =	sshll.u32 s30, $0x4;
	s28 =	sshll.u32 s30, $0x7  }
0x140: {  	v32 =	vsel vm11, $0x0, v7;
	v31, _, _ =	vpop (xrf0);
	(xrf0) =	vmax.scan.msk.u32 $0xffff, v9;
	s30 =	spop (v2sf);
	s29 =	sand.u32 $0x70, s29;
	s28 =	sand.u32 $0xFFFFFC00, s28  }
0x141: {  	v9 =	vxor.u32 $0x80000000, v32;
	(v2sf) =	vpush v31, $0xF;
	s30 =	sshll.u32 s30, $0x4;
	[tilespmem:v28+s23+$0x0] =	vst.idx.add.f32.msk $0xffff, v10;
	s28 =	sor.u32 s29, s28  }
0x142: {  	v34, _, _ =	vpop (xrf0);
	(xrf0) =	vmax.scan.msk.u32 $0xffff, v9;
	v33 =	vor.u32 s30, v0;
	v10 =	vld [tilespmem:s28+$0x8480]  }
0x143: {  	vm11 =	vcmask $0x272C;
	(v2sf) =	vpush v34, $0xF  }
0x144: {  	v35 =	vsel vm11, $0x0, v8;
	s30 =	spop (v2sf)  }
0x145: {  	v9 =	vxor.u32 $0x80000000, v35;
	s29 =	sshll.u32 s30, $0x4;
	s28 =	sshll.u32 s30, $0x7  }
0x146: {  	v37 =	vsel vm11, $0x0, v7;
	v36, _, _ =	vpop (xrf0);
	(xrf0) =	vmax.scan.msk.u32 $0xffff, v9;
	s30 =	spop (v2sf);
	s29 =	sand.u32 $0x70, s29;
	s28 =	sand.u32 $0xFFFFFC00, s28  }
0x147: {  	v9 =	vxor.u32 $0x80000000, v37;
	(v2sf) =	vpush v36, $0xF;
	s30 =	sshll.u32 s30, $0x4;
	[tilespmem:v33+s23+$0x0] =	vst.idx.add.f32.msk $0xffff, v10;
	s28 =	sor.u32 s29, s28  }
0x148: {  	v39, _, _ =	vpop (xrf0);
	(xrf0) =	vmax.scan.msk.u32 $0xffff, v9;
	v38 =	vor.u32 s30, v0;
	v10 =	vld [tilespmem:s28+$0x8500]  }
0x149: {  	vm11 =	vcmask $0x2B30;
	(v2sf) =	vpush v39, $0xF;
	s28 =	spop (v2sf)  }
0x14a: {  	v40 =	vsel vm11, $0x0, v8;
	s30 =	sshll.u32 s28, $0x4  }
0x14b: {  	v9 =	vxor.u32 $0x80000000, v40;
	s28 =	sshll.u32 s28, $0x7;
	s29 =	sand.u32 $0x70, s30  }
0x14c: {  	v42 =	vsel vm11, $0x0, v7;
	v41, _, _ =	vpop (xrf0);
	(xrf0) =	vmax.scan.msk.u32 $0xffff, v9;
	s30 =	spop (v2sf);
	s28 =	sor.u32 s28, s29  }
0x14d: {  	v9 =	vxor.u32 $0x80000000, v42;
	(v2sf) =	vpush v41, $0xF;
	s30 =	sshll.u32 s30, $0x4;
	s28 =	sor.u32 $0x380, s28;
	[tilespmem:v38+s23+$0x0] =	vst.idx.add.f32.msk $0xffff, v10  }
0x14e: {  	v43 =	vor.u32 s30, v0;
	v44, _, _ =	vpop (xrf0);
	(xrf0) =	vmax.scan.msk.u32 $0xffff, v9;
	v10 =	vld [tilespmem:s28+$0x8200]  }
0x14f: {  	(v2sf) =	vpush v44, $0xF  }
0x150: {  	v45 =	vsel vm12, $0x0, v8;
	s30 =	spop (v2sf)  }
0x151: {  	v9 =	vxor.u32 $0x80000000, v45;
	s29 =	sshll.u32 s30, $0x4;
	s28 =	sshll.u32 s30, $0x7  }
0x152: {  	v47 =	vsel vm12, $0x0, v7;
	v46, _, _ =	vpop (xrf0);
	(xrf0) =	vmax.scan.msk.u32 $0xffff, v9;
	s29 =	sand.u32 $0x70, s29;
	s28 =	sand.u32 $0xFFFFFC00, s28;
	s30 =	spop (v2sf)  }
0x153: {  	v9 =	vxor.u32 $0x80000000, v47;
	(v2sf) =	vpush v46, $0xF;
	s28 =	sor.u32 s29, s28;
	s30 =	sshll.u32 s30, $0x4;
	[tilespmem:v43+s23+$0x0] =	vst.idx.add.f32.msk $0xffff, v10  }
0x154: {  	v48 =	vor.u32 s30, v0;
	v49, _, _ =	vpop (xrf0);
	(xrf0) =	vmax.scan.msk.u32 $0xffff, v9;
	v10 =	vld [tilespmem:s28+$0xC200]  }
0x155: {  	(v2sf) =	vpush v49, $0xF  }
0x156: {  	v50 =	vsel vm13, $0x0, v8;
	s30 =	spop (v2sf)  }
0x157: {  	v9 =	vxor.u32 $0x80000000, v50;
	s29 =	sshll.u32 s30, $0x4;
	s28 =	sshll.u32 s30, $0x7  }
0x158: {  	v52 =	vsel vm13, $0x0, v7;
	v51, _, _ =	vpop (xrf0);
	(xrf0) =	vmax.scan.msk.u32 $0xffff, v9;
	s29 =	sand.u32 $0x70, s29;
	s28 =	sand.u32 $0xFFFFFC00, s28;
	s30 =	spop (v2sf)  }
0x159: {  	v9 =	vxor.u32 $0x80000000, v52;
	(v2sf) =	vpush v51, $0xF;
	s28 =	sor.u32 s29, s28;
	s30 =	sshll.u32 s30, $0x4;
	[tilespmem:v48+s23+$0x0] =	vst.idx.add.f32.msk $0xffff, v10  }
0x15a: {  	v53 =	vor.u32 s30, v0;
	v54, _, _ =	vpop (xrf0);
	(xrf0) =	vmax.scan.msk.u32 $0xffff, v9;
	v10 =	vld [tilespmem:s28+$0xC280]  }
0x15b: {  	(v2sf) =	vpush v54, $0xF  }
0x15c: {  	v55 =	vsel vm14, $0x0, v8;
	s30 =	spop (v2sf)  }
0x15d: {  	v9 =	vxor.u32 $0x80000000, v55;
	s29 =	sshll.u32 s30, $0x4;
	s28 =	sshll.u32 s30, $0x7  }
0x15e: {  	v57 =	vsel vm14, $0x0, v7;
	v56, _, _ =	vpop (xrf0);
	(xrf0) =	vmax.scan.msk.u32 $0xffff, v9;
	s29 =	sand.u32 $0x70, s29;
	s28 =	sand.u32 $0xFFFFFC00, s28;
	s30 =	spop (v2sf)  }
0x15f: {  	v9 =	vxor.u32 $0x80000000, v57;
	(v2sf) =	vpush v56, $0xF;
	s28 =	sor.u32 s29, s28;
	s30 =	sshll.u32 s30, $0x4;
	[tilespmem:v53+s23+$0x0] =	vst.idx.add.f32.msk $0xffff, v10  }
0x160: {  	v58, _, _ =	vpop (xrf0);
	(xrf0) =	vmax.scan.msk.u32 $0xffff, v9;
	v59 =	vor.u32 s30, v0;
	v10 =	vld [tilespmem:s28+$0xC300]  }
0x161: {  	(v2sf) =	vpush v58, $0xF  }
0x162: {  	v8 =	vsel vm15, $0x0, v8;
	s30 =	spop (v2sf)  }
0x163: {  	v8 =	vxor.u32 $0x80000000, v8;
	s29 =	sshll.u32 s30, $0x4;
	s28 =	sshll.u32 s30, $0x7  }
0x164: {  	v7 =	vsel vm15, $0x0, v7;
	v60, _, _ =	vpop (xrf0);
	(xrf0) =	vmax.scan.msk.u32 $0xffff, v8;
	s29 =	sand.u32 $0x70, s29;
	s28 =	sand.u32 $0xFFFFFC00, s28;
	s30 =	spop (v2sf)  }
0x165: {  	v7 =	vxor.u32 $0x80000000, v7;
	(v2sf) =	vpush v60, $0xF;
	s28 =	sor.u32 s29, s28;
	s30 =	sshll.u32 s30, $0x4;
	[tilespmem:v59+s23+$0x0] =	vst.idx.add.f32.msk $0xffff, v10  }
0x166: {  	v61 =	vor.u32 s30, v0;
	v62, _, _ =	vpop (xrf0);
	(xrf0) =	vmax.scan.msk.u32 $0xffff, v7;
	v8 =	vld [tilespmem:s28+$0xC380]  }
0x167: {  	(v2sf) =	vpush v62, $0xF  }
0x168: {  	s30 =	spop (v2sf)  }
0x169: {  	s29 =	sshll.u32 s30, $0x4;
	s28 =	sshll.u32 s30, $0x7  }
0x16a: {  	v7, _, _ =	vpop (xrf0);
	s29 =	sand.u32 $0x70, s29;
	s28 =	sand.u32 $0xFFFFFC00, s28;
	s30 =	spop (v2sf)  }
0x16b: {  	(v2sf) =	vpush v7, $0xF;
	s28 =	sor.u32 s29, s28;
	s30 =	sshll.u32 s30, $0x4;
	[tilespmem:v61+s23+$0x0] =	vst.idx.add.f32.msk $0xffff, v8  }
0x16c: {  	v63, _, _ =	vpop (xrf0);
	v8 =	vor.u32 s30, v0;
	v7 =	vld [tilespmem:s28+$0xC400]  }
0x16d: {  	(v2sf) =	vpush v63, $0xF  }
0x16e: {  	s30 =	spop (v2sf)  }
0x16f: {  	s29 =	sshll.u32 s30, $0x4;
	s28 =	sshll.u32 s30, $0x7  }
0x170: {  	s29 =	sand.u32 $0x70, s29;
	s28 =	sand.u32 $0xFFFFFC00, s28;
	s30 =	spop (v2sf)  }
0x171: {  	s28 =	sor.u32 s29, s28;
	s30 =	sshll.u32 s30, $0x4;
	[tilespmem:v8+s23+$0x0] =	vst.idx.add.f32.msk $0xffff, v7  }
0x172: {  	v8 =	vor.u32 s30, v0;
	v7 =	vld [tilespmem:s28+$0xC480];
	_ =	sdelay $0x1  }
0x173: {  	s30 =	spop (v2sf)  }
0x174: {  	s29 =	sshll.u32 s30, $0x4;
	s28 =	sshll.u32 s30, $0x7  }
0x175: {  	s29 =	sand.u32 $0x70, s29;
	s28 =	sand.u32 $0xFFFFFC00, s28;
	s30 =	spop (v2sf)  }
0x176: {  	s28 =	sor.u32 s29, s28;
	s30 =	sshll.u32 s30, $0x4;
	[tilespmem:v8+s23+$0x0] =	vst.idx.add.f32.msk $0xffff, v7  }
0x177: {  	v8 =	vor.u32 s30, v0;
	v7 =	vld [tilespmem:s28+$0xC500];
	_ =	sdelay $0x1  }
0x178: {  	s30 =	spop (v2sf)  }
0x179: {  	s29 =	sshll.u32 s30, $0x4;
	s28 =	sshll.u32 s30, $0x7  }
0x17a: {  	s29 =	sand.u32 $0x70, s29;
	s28 =	sand.u32 $0xFFFFFC00, s28;
	s30 =	spop (v2sf)  }
0x17b: {  	s28 =	sor.u32 s29, s28;
	s30 =	sshll.u32 s30, $0x4;
	[tilespmem:v8+s23+$0x0] =	vst.idx.add.f32.msk $0xffff, v7  }
0x17c: {  	v8 =	vor.u32 s30, v0;
	v7 =	vld [tilespmem:s28+$0xC580]  }
.Ltmp4:
0x17d: {  	_ = 	snop;
	(pc) =	sbr.rel .LBB2_5-.Ltmp4, $2  }
0x17e: {  	_ =	sdelay $0x2  }
0x17f: {  	[tilespmem:v8+s23+$0x0] =	vst.idx.add.f32.msk $0xffff, v7  }
.LBB2_6:
0x180: {  	_ =	sfence.sel $0x180000  }
0x181: {  	[bflag:$0x0] =	sbarrier.arrive $0xFFFF  }
0x182: {  	_ =	strace $0x90000047  }
0x183: {  	s0 =	stileid.u32;
	[bflag:$0x2] =	sbarrier.arrive $0xFFFF  }
0x184: {  	p0 =	sne.s32 s0, $0x0;
	s0 =	rddreg [dreg:$0x4]  }
0x185: {  	s0 =	sadd.s32 @!p0 $0x100000, s0  }
0x186: {  	[sflag:s0] =	ssyncadd.tile.s32 @!p0 $0x1;
	_ =	shalt  }
.Lfunc_end2:
_tile_overlayer_lowered:
.L_overlay_start_2:
0x187: {  	(tag) =	ssettag $0x2  }
0x188: {  	s0 =	rddreg [dreg:$0x0];
	s2 =	stileid.u32  }
0x189: {  	s1 =	rddreg [dreg:$0x1];
	p0 =	sne.s32 s2, $0x0  }
0x18a: {  	s3 =	rddreg [dreg:$0x2];
	[bflag:$0x3] =	sbarrier.arrive $0xFFFF;
	s2 =	simm.s32 @!p0 $0x1C04  }
0x18b: {  	[timem:s3], [sflag:s2] =	dma.local @!p0 [hbm:s0], s1  }
0x18c: {  	s0 =	simm.s32 @!p0 $0x4  }
0x18d: {  	_ =	swait.ge @!p0 [sflag:s0], s1  }
0x18e: {  	s1 =	ssub.s32 @!p0 $0x0, s1;
	[sflag:s0] =	ssyncset.done @!p0 $0x0  }
0x18f: {  	[sflag:s0] =	ssyncadd.s32 @!p0 s1  }
0x190: {  	[bflag:$0x3] =	sbarrier.arrive $0xFFFF  }
0x191: {  	_ =	shalt  }

</sc_bundles>
